<compile_context>
chip_gen: v7x
topology: tpu7x:2x2x1
jax: 0.10.2.dev20260603
libtpu: 0.0.44.dev20260713+nightly
codegen_flags: <defaults>
</compile_context>

<pallas_src>
import functools

import jax
import jax.numpy as jnp
from jax import lax
from jax.experimental import pallas as pl
from jax.experimental.pallas import tpu as pltpu
from jax.experimental.pallas import tpu_sc as plsc

N_NODES = 10000
N_EDGES = 320000
F = 128

NC = 2
NS = 16
NW = NC * NS

CHUNK = 128
NBUF = 2
K0 = 116
K1 = 42
E_PAD = NS * (K0 + K1) * CHUNK
E_SPLIT = NS * K0 * CHUNK
PAD_ROWS = 8

ROWS_MAIN = 624
LAST_START = (NS - 1) * ROWS_MAIN
LAST_ROWS = N_NODES - LAST_START

_sc_mesh = plsc.VectorSubcoreMesh(core_axis_name="c", subcore_axis_name="s")


@functools.partial(
    pl.kernel,
    out_type=jax.ShapeDtypeStruct((NC, N_NODES, F), jnp.float32),
    mesh=_sc_mesh,
    scratch_types=[
        pltpu.VMEM_SHARED((N_NODES + PAD_ROWS, F), jnp.float32),
        pltpu.VMEM((NBUF, 2, CHUNK), jnp.int32),
        pltpu.VMEM((K1, 2, CHUNK), jnp.int32),
        pltpu.VMEM((NBUF, CHUNK, F), jnp.float32),
        [pltpu.SemaphoreType.DMA for _ in range(NBUF)],
    ],
)
def _sc_aggregate(x_hbm, idx0_hbm, idx1_hbm, parts_hbm,
                  agg_s, idx_r, idx_all, rows, sem_g):
    c = lax.axis_index("c")
    s = lax.axis_index("s")

    start = pl.multiple_of(s * ROWS_MAIN, 8)

    zv = jnp.zeros((16,), jnp.float32)

    def _zrow(r, carry):
        for kk in range(F // 16):
            rows[0, r, pl.ds(kk * 16, 16)] = zv
        return carry

    lax.fori_loop(0, CHUNK, _zrow, 0)

    @pl.when(s < NS - 1)
    def _():
        for i in range(4):
            pltpu.sync_copy(rows.at[0],
                            agg_s.at[pl.ds(start + i * CHUNK, CHUNK)])
        pltpu.sync_copy(rows.at[0, pl.ds(0, ROWS_MAIN - 4 * CHUNK)],
                        agg_s.at[pl.ds(start + 4 * CHUNK,
                                       ROWS_MAIN - 4 * CHUNK)])

    @pl.when(s == NS - 1)
    def _():
        for i in range(5):
            pltpu.sync_copy(rows.at[0],
                            agg_s.at[pl.ds(LAST_START + i * CHUNK, CHUNK)])
        pltpu.sync_copy(rows.at[0, pl.ds(0, PAD_ROWS)],
                        agg_s.at[pl.ds(LAST_START + 5 * CHUNK, PAD_ROWS)])

    plsc.subcore_barrier()

    @pl.when(c == 0)
    def _():
        def _round(g, carry):
            base = g * NBUF
            pltpu.sync_copy(idx0_hbm.at[s, pl.ds(base, NBUF)], idx_r)
            dg = []
            for b in range(NBUF):
                dg.append(
                    pltpu.async_copy(x_hbm.at[idx_r.at[b, 0]], rows.at[b],
                                     sem_g[b])
                )
            for b in range(NBUF):
                dg[b].wait()
                pltpu.sync_copy(rows.at[b], agg_s.at[idx_r.at[b, 1]],
                                add=True)
            return carry

        lax.fori_loop(0, K0 // NBUF, _round, 0)

    @pl.when(c == 1)
    def _():
        pltpu.sync_copy(idx1_hbm.at[s], idx_all)

        def _round(g, carry):
            base = g * NBUF
            dg = []
            for b in range(NBUF):
                j = base + b
                dg.append(
                    pltpu.async_copy(x_hbm.at[idx_all.at[j, 0]], rows.at[b],
                                     sem_g[b])
                )
            for b in range(NBUF):
                j = base + b
                dg[b].wait()
                pltpu.sync_copy(rows.at[b], agg_s.at[idx_all.at[j, 1]],
                                add=True)
            return carry

        lax.fori_loop(0, K1 // NBUF, _round, 0)

    plsc.subcore_barrier()

    @pl.when(s < NS - 1)
    def _():
        pltpu.sync_copy(agg_s.at[pl.ds(start, ROWS_MAIN)],
                        parts_hbm.at[c, pl.ds(start, ROWS_MAIN)])

    @pl.when(s == NS - 1)
    def _():
        pltpu.sync_copy(agg_s.at[pl.ds(LAST_START, LAST_ROWS)],
                        parts_hbm.at[c, pl.ds(LAST_START, LAST_ROWS)])


def _tc_body(x_ref, p0_ref, p1_ref, wr_ref, wn_ref, b_ref, o_ref):
    agg = p0_ref[...] + p1_ref[...]
    acc = jnp.dot(x_ref[...], wr_ref[...], preferred_element_type=jnp.float32)
    acc = acc + jnp.dot(agg, wn_ref[...], preferred_element_type=jnp.float32)
    o_ref[...] = jnp.maximum(acc + b_ref[...], 0.0)


_ROW_BLK = 1000

_tc_finish = pl.pallas_call(
    _tc_body,
    grid=(N_NODES // _ROW_BLK,),
    in_specs=[
        pl.BlockSpec((_ROW_BLK, F), lambda i: (i, 0)),
        pl.BlockSpec((_ROW_BLK, F), lambda i: (i, 0)),
        pl.BlockSpec((_ROW_BLK, F), lambda i: (i, 0)),
        pl.BlockSpec((F, F), lambda i: (0, 0)),
        pl.BlockSpec((F, F), lambda i: (0, 0)),
        pl.BlockSpec((1, F), lambda i: (0, 0)),
    ],
    out_specs=pl.BlockSpec((_ROW_BLK, F), lambda i: (i, 0)),
    out_shape=jax.ShapeDtypeStruct((N_NODES, F), jnp.float32),
)


@jax.jit
def kernel(x, edge_index, W_root, W_nbr, b):
    ei = edge_index.astype(jnp.int32)
    pad = E_PAD - N_EDGES
    src = jnp.concatenate([ei[0], jnp.zeros((pad,), jnp.int32)])
    dst = jnp.concatenate([ei[1], jnp.full((pad,), N_NODES, jnp.int32)])
    idx0 = jnp.stack([src[:E_SPLIT].reshape(NS, K0, CHUNK),
                      dst[:E_SPLIT].reshape(NS, K0, CHUNK)], axis=2)
    idx1 = jnp.stack([src[E_SPLIT:].reshape(NS, K1, CHUNK),
                      dst[E_SPLIT:].reshape(NS, K1, CHUNK)], axis=2)
    parts = _sc_aggregate(x, idx0, idx1)
    return _tc_finish(x, parts[0], parts[1], W_root, W_nbr,
                      b.reshape(1, F))

# --- scband reference (transcript-rebuilt; emitter-appended) ---
"""Pipeline reference for scband-stand-graph1-50371376447881 (READ-ONLY COPY).

The authoritative reference and input builder live on the scoring server;
editing this copy changes nothing except your own understanding.
"""

import jax, jax.numpy as jnp
import numpy as np

N_NODES = 10000
N_EDGES = 320000
F_IN = 128
F_OUT = 128


def setup_inputs(seed: int = 0) -> dict:
    key = jax.random.key(seed)
    k1, k2, k3, k4, k5 = jax.random.split(key, 5)
    x = jax.random.normal(k1, (N_NODES, F_IN), dtype=jnp.float32)
    edge_index = jax.random.randint(k2, (2, N_EDGES), 0, N_NODES, dtype=jnp.int64)
    scale = 1.0 / np.sqrt(F_IN)
    W_root = jax.random.normal(k3, (F_IN, F_OUT), dtype=jnp.float32) * scale
    W_nbr = jax.random.normal(k4, (F_IN, F_OUT), dtype=jnp.float32) * scale
    b = jax.random.normal(k5, (F_OUT,), dtype=jnp.float32) * 0.01
    return {"x": x, "edge_index": edge_index, "W_root": W_root, "W_nbr": W_nbr, "b": b}


def reference(x, edge_index, W_root, W_nbr, b):
    # GraphConv (Morris et al.): out_i = W_root @ x_i + W_nbr @ sum_{j in N(i)} x_j + b
    src = edge_index[0]
    dst = edge_index[1]
    msgs = jnp.take(x, src, axis=0)  # gather source node features [E, F_IN]
    agg = jax.ops.segment_sum(msgs, dst, num_segments=N_NODES)  # scatter-add by dst
    out = x @ W_root + agg @ W_nbr + b
    # model forward applies F.relu after conv1 (dropout is inactive in eval / not applied in forward)
    return jax.nn.relu(out)

if __name__ == "__main__":
    import jax
    _d = setup_inputs()
    print(jax.jit(kernel)(*tuple(_d.values())))

</pallas_src>

<mosaic_0001>
#map = affine_map<(d0, d1) -> (0, 0)>
#map1 = affine_map<(d0, d1) -> (0, 0, 0, 0)>
#map2 = affine_map<(d0, d1) -> (0, 0, 0)>
module attributes {stable_mosaic.version = 14 : i64} {
  func.func @_sc_aggregate(%arg0: i32, %arg1: i32, %arg2: memref<10000x128xf32, #tpu.memory_space<hbm>>, %arg3: memref<16x116x2x128xi32, #tpu.memory_space<hbm>>, %arg4: memref<16x42x2x128xi32, #tpu.memory_space<hbm>>, %arg5: memref<2x10000x128xf32, #tpu.memory_space<hbm>>, %arg6: memref<10008x128xf32, #tpu.memory_space<vmem_shared>>, %arg7: memref<2x2x128xi32, #tpu.memory_space<vmem>>, %arg8: memref<42x2x128xi32, #tpu.memory_space<vmem>>, %arg9: memref<2x128x128xf32, #tpu.memory_space<vmem>>, %arg10: memref<!tpu.dma_semaphore, #tpu.memory_space<semaphore_mem>>, %arg11: memref<!tpu.dma_semaphore, #tpu.memory_space<semaphore_mem>>) attributes {dimension_semantics = [#tpu.dimension_semantics<core_parallel>, #tpu.dimension_semantics<subcore_parallel>], iteration_bounds = array<i64: 2, 16>, scalar_prefetch = 0 : i64, scratch_operands = 6 : i64, tpu.core_type = #tpu.core_type<sc_vector_subcore>, window_params = [{transform_indices = #map}, {transform_indices = #map1}, {transform_indices = #map1}, {transform_indices = #map2}]} {
    %mul3A = arith.constant 624 : i32
    %mul3A_0 = arith.muli %arg1, %mul3A : i32
    %multiple_of3A = tpu.assume_multiple %mul3A_0, 8 : i32
    %broadcast_in_dim3A = arith.constant 0.000000e+00 : f32
    %broadcast_in_dim3A_1 = vector.broadcast %broadcast_in_dim3A : f32 to vector<16xf32>
    %scan3A = arith.constant 0 : i32
    %scan3A_2 = arith.constant 0 : i32
    %scan3A_3 = arith.constant 128 : i32
    %scan3A_4 = arith.addi %scan3A_2, %scan3A_3 : i32
    %scan3A_5 = arith.constant 1 : i32
    scf.for %scan3A_34 = %scan3A_2 to %scan3A_4 step %scan3A_5  : i32 {
      %swap3A = arith.constant 0 : i32
      %swap3A_35 = arith.index_cast %swap3A : i32 to index
      %swap3A_36 = arith.index_cast %scan3A_34 : i32 to index
      %swap3A_37 = arith.constant 0 : index
      %swap3A_38 = tpu.vector_load %arg9[%swap3A_35, %swap3A_36, %swap3A_37] {strides = array<i32>} : memref<2x128x128xf32, #tpu.memory_space<vmem>>, vector<1x1x16xf32>,
      %swap3A_39 = vector.shape_cast %swap3A_38 : vector<1x1x16xf32> to vector<16xf32>
      %swap3A_40 = vector.shape_cast %broadcast_in_dim3A_1 : vector<16xf32> to vector<1x1x16xf32>
      tpu.vector_store %arg9[%swap3A_35, %swap3A_36, %swap3A_37], %swap3A_40 {strides = array<i32>} : memref<2x128x128xf32, #tpu.memory_space<vmem>>, vector<1x1x16xf32>,
      %swap3A_41 = arith.constant 0 : i32
      %swap3A_42 = arith.index_cast %swap3A_41 : i32 to index
      %swap3A_43 = arith.index_cast %scan3A_34 : i32 to index
      %swap3A_44 = arith.constant 16 : index
      %swap3A_45 = tpu.vector_load %arg9[%swap3A_42, %swap3A_43, %swap3A_44] {strides = array<i32>} : memref<2x128x128xf32, #tpu.memory_space<vmem>>, vector<1x1x16xf32>,
      %swap3A_46 = vector.shape_cast %swap3A_45 : vector<1x1x16xf32> to vector<16xf32>
      %swap3A_47 = vector.shape_cast %broadcast_in_dim3A_1 : vector<16xf32> to vector<1x1x16xf32>
      tpu.vector_store %arg9[%swap3A_42, %swap3A_43, %swap3A_44], %swap3A_47 {strides = array<i32>} : memref<2x128x128xf32, #tpu.memory_space<vmem>>, vector<1x1x16xf32>,
      %swap3A_48 = arith.constant 0 : i32
      %swap3A_49 = arith.index_cast %swap3A_48 : i32 to index
      %swap3A_50 = arith.index_cast %scan3A_34 : i32 to index
      %swap3A_51 = arith.constant 32 : index
      %swap3A_52 = tpu.vector_load %arg9[%swap3A_49, %swap3A_50, %swap3A_51] {strides = array<i32>} : memref<2x128x128xf32, #tpu.memory_space<vmem>>, vector<1x1x16xf32>,
      %swap3A_53 = vector.shape_cast %swap3A_52 : vector<1x1x16xf32> to vector<16xf32>
      %swap3A_54 = vector.shape_cast %broadcast_in_dim3A_1 : vector<16xf32> to vector<1x1x16xf32>
      tpu.vector_store %arg9[%swap3A_49, %swap3A_50, %swap3A_51], %swap3A_54 {strides = array<i32>} : memref<2x128x128xf32, #tpu.memory_space<vmem>>, vector<1x1x16xf32>,
      %swap3A_55 = arith.constant 0 : i32
      %swap3A_56 = arith.index_cast %swap3A_55 : i32 to index
      %swap3A_57 = arith.index_cast %scan3A_34 : i32 to index
      %swap3A_58 = arith.constant 48 : index
      %swap3A_59 = tpu.vector_load %arg9[%swap3A_56, %swap3A_57, %swap3A_58] {strides = array<i32>} : memref<2x128x128xf32, #tpu.memory_space<vmem>>, vector<1x1x16xf32>,
      %swap3A_60 = vector.shape_cast %swap3A_59 : vector<1x1x16xf32> to vector<16xf32>
      %swap3A_61 = vector.shape_cast %broadcast_in_dim3A_1 : vector<16xf32> to vector<1x1x16xf32>
      tpu.vector_store %arg9[%swap3A_56, %swap3A_57, %swap3A_58], %swap3A_61 {strides = array<i32>} : memref<2x128x128xf32, #tpu.memory_space<vmem>>, vector<1x1x16xf32>,
      %swap3A_62 = arith.constant 0 : i32
      %swap3A_63 = arith.index_cast %swap3A_62 : i32 to index
      %swap3A_64 = arith.index_cast %scan3A_34 : i32 to index
      %swap3A_65 = arith.constant 64 : index
      %swap3A_66 = tpu.vector_load %arg9[%swap3A_63, %swap3A_64, %swap3A_65] {strides = array<i32>} : memref<2x128x128xf32, #tpu.memory_space<vmem>>, vector<1x1x16xf32>,
      %swap3A_67 = vector.shape_cast %swap3A_66 : vector<1x1x16xf32> to vector<16xf32>
      %swap3A_68 = vector.shape_cast %broadcast_in_dim3A_1 : vector<16xf32> to vector<1x1x16xf32>
      tpu.vector_store %arg9[%swap3A_63, %swap3A_64, %swap3A_65], %swap3A_68 {strides = array<i32>} : memref<2x128x128xf32, #tpu.memory_space<vmem>>, vector<1x1x16xf32>,
      %swap3A_69 = arith.constant 0 : i32
      %swap3A_70 = arith.index_cast %swap3A_69 : i32 to index
      %swap3A_71 = arith.index_cast %scan3A_34 : i32 to index
      %swap3A_72 = arith.constant 80 : index
      %swap3A_73 = tpu.vector_load %arg9[%swap3A_70, %swap3A_71, %swap3A_72] {strides = array<i32>} : memref<2x128x128xf32, #tpu.memory_space<vmem>>, vector<1x1x16xf32>,
      %swap3A_74 = vector.shape_cast %swap3A_73 : vector<1x1x16xf32> to vector<16xf32>
      %swap3A_75 = vector.shape_cast %broadcast_in_dim3A_1 : vector<16xf32> to vector<1x1x16xf32>
      tpu.vector_store %arg9[%swap3A_70, %swap3A_71, %swap3A_72], %swap3A_75 {strides = array<i32>} : memref<2x128x128xf32, #tpu.memory_space<vmem>>, vector<1x1x16xf32>,
      %swap3A_76 = arith.constant 0 : i32
      %swap3A_77 = arith.index_cast %swap3A_76 : i32 to index
      %swap3A_78 = arith.index_cast %scan3A_34 : i32 to index
      %swap3A_79 = arith.constant 96 : index
      %swap3A_80 = tpu.vector_load %arg9[%swap3A_77, %swap3A_78, %swap3A_79] {strides = array<i32>} : memref<2x128x128xf32, #tpu.memory_space<vmem>>, vector<1x1x16xf32>,
      %swap3A_81 = vector.shape_cast %swap3A_80 : vector<1x1x16xf32> to vector<16xf32>
      %swap3A_82 = vector.shape_cast %broadcast_in_dim3A_1 : vector<16xf32> to vector<1x1x16xf32>
      tpu.vector_store %arg9[%swap3A_77, %swap3A_78, %swap3A_79], %swap3A_82 {strides = array<i32>} : memref<2x128x128xf32, #tpu.memory_space<vmem>>, vector<1x1x16xf32>,
      %swap3A_83 = arith.constant 0 : i32
      %swap3A_84 = arith.index_cast %swap3A_83 : i32 to index
      %swap3A_85 = arith.index_cast %scan3A_34 : i32 to index
      %swap3A_86 = arith.constant 112 : index
      %swap3A_87 = tpu.vector_load %arg9[%swap3A_84, %swap3A_85, %swap3A_86] {strides = array<i32>} : memref<2x128x128xf32, #tpu.memory_space<vmem>>, vector<1x1x16xf32>,
      %swap3A_88 = vector.shape_cast %swap3A_87 : vector<1x1x16xf32> to vector<16xf32>
      %swap3A_89 = vector.shape_cast %broadcast_in_dim3A_1 : vector<16xf32> to vector<1x1x16xf32>
      tpu.vector_store %arg9[%swap3A_84, %swap3A_85, %swap3A_86], %swap3A_89 {strides = array<i32>} : memref<2x128x128xf32, #tpu.memory_space<vmem>>, vector<1x1x16xf32>,
    }
    %scan3A_6 = arith.constant 128 : i32
    %lt3A = arith.constant 15 : i32
    %lt3A_7 = arith.cmpi slt, %arg1, %lt3A : i32
    %convert_element_type3A = arith.extui %lt3A_7 : i1 to i32
    %cond3A = arith.constant 0 : i32
    %cond3A_8 = arith.cmpi ne, %convert_element_type3A, %cond3A : i32
    scf.if %cond3A_8 {
      %add3A = arith.constant 0 : i32
      %add3A_34 = arith.addi %multiple_of3A, %add3A : i32
      %run_scoped3A = arith.constant 0 : i32
      "tpu.region"() ({
        %run_scoped3A_47 = tpu.sem_alloc : memref<!tpu.dma_semaphore, #tpu.memory_space<semaphore_mem>>
        %dma_start3A = arith.constant 0 : i32
        %dma_start3A_48 = arith.constant 0 : i32
        %dma_start3A_49 = tpu.memref_slice %arg9[%run_scoped3A, %dma_start3A, %dma_start3A_48] : memref<2x128x128xf32, #tpu.memory_space<vmem>> -> memref<1x128x128xf32, #tpu.memory_space<vmem>>
        %dma_start3A_50 = tpu.memref_squeeze %dma_start3A_49 : memref<1x128x128xf32, #tpu.memory_space<vmem>> -> memref<128x128xf32, #tpu.memory_space<vmem>>
        %dma_start3A_51 = arith.constant 0 : i32
        %dma_start3A_52 = tpu.memref_slice %arg6[%add3A_34, %dma_start3A_51] : memref<10008x128xf32, #tpu.memory_space<vmem_shared>> -> memref<128x128xf32, #tpu.memory_space<vmem_shared>>
        %dma_start3A_53 = arith.constant 0 : i32
        %dma_start3A_54 = tpu.memref_slice %arg6[%add3A_34, %dma_start3A_53] : memref<10008x128xf32, #tpu.memory_space<vmem_shared>> -> memref<128x128xf32, #tpu.memory_space<vmem_shared>>
        %dma_start3A_55 = arith.constant 0 : i32
        %dma_start3A_56 = arith.constant 0 : i32
        %dma_start3A_57 = tpu.memref_slice %arg9[%run_scoped3A, %dma_start3A_55, %dma_start3A_56] : memref<2x128x128xf32, #tpu.memory_space<vmem>> -> memref<1x128x128xf32, #tpu.memory_space<vmem>>
        %dma_start3A_58 = tpu.memref_squeeze %dma_start3A_57 : memref<1x128x128xf32, #tpu.memory_space<vmem>> -> memref<128x128xf32, #tpu.memory_space<vmem>>
        tpu.enqueue_dma source(%dma_start3A_58 : memref<128x128xf32, #tpu.memory_space<vmem>>) target(%dma_start3A_54 : memref<128x128xf32, #tpu.memory_space<vmem_shared>>) target_semaphore(%run_scoped3A_47 : memref<!tpu.dma_semaphore, #tpu.memory_space<semaphore_mem>>)
        %dma_wait3A = arith.constant 0 : i32
        %dma_wait3A_59 = arith.constant 0 : i32
        %dma_wait3A_60 = tpu.memref_slice %arg9[%run_scoped3A, %dma_wait3A, %dma_wait3A_59] : memref<2x128x128xf32, #tpu.memory_space<vmem>> -> memref<1x128x128xf32, #tpu.memory_space<vmem>>
        %dma_wait3A_61 = tpu.memref_squeeze %dma_wait3A_60 : memref<1x128x128xf32, #tpu.memory_space<vmem>> -> memref<128x128xf32, #tpu.memory_space<vmem>>
        %dma_wait3A_62 = arith.constant 0 : i32
        %dma_wait3A_63 = tpu.memref_slice %arg6[%add3A_34, %dma_wait3A_62] : memref<10008x128xf32, #tpu.memory_space<vmem_shared>> -> memref<128x128xf32, #tpu.memory_space<vmem_shared>>
        %dma_wait3A_64 = arith.constant 0 : i32
        %dma_wait3A_65 = tpu.memref_slice %arg6[%add3A_34, %dma_wait3A_64] : memref<10008x128xf32, #tpu.memory_space<vmem_shared>> -> memref<128x128xf32, #tpu.memory_space<vmem_shared>>
        %dma_wait3A_66 = arith.constant 0 : i32
        %dma_wait3A_67 = arith.constant 0 : i32
        %dma_wait3A_68 = tpu.memref_slice %arg9[%run_scoped3A, %dma_wait3A_66, %dma_wait3A_67] : memref<2x128x128xf32, #tpu.memory_space<vmem>> -> memref<1x128x128xf32, #tpu.memory_space<vmem>>
        %dma_wait3A_69 = tpu.memref_squeeze %dma_wait3A_68 : memref<1x128x128xf32, #tpu.memory_space<vmem>> -> memref<128x128xf32, #tpu.memory_space<vmem>>
        tpu.wait_dma2 semaphore(%run_scoped3A_47 : memref<!tpu.dma_semaphore, #tpu.memory_space<semaphore_mem>>) src(%dma_wait3A_69 : memref<128x128xf32, #tpu.memory_space<vmem>>) dst(%dma_wait3A_65 : memref<128x128xf32, #tpu.memory_space<vmem_shared>>)
        tpu.yield
      }) : () -> ()
      %add3A_35 = arith.constant 128 : i32
      %add3A_36 = arith.addi %multiple_of3A, %add3A_35 : i32
      %run_scoped3A_37 = arith.constant 0 : i32
      "tpu.region"() ({
        %run_scoped3A_47 = tpu.sem_alloc : memref<!tpu.dma_semaphore, #tpu.memory_space<semaphore_mem>>
        %dma_start3A = arith.constant 0 : i32
        %dma_start3A_48 = arith.constant 0 : i32
        %dma_start3A_49 = tpu.memref_slice %arg9[%run_scoped3A_37, %dma_start3A, %dma_start3A_48] : memref<2x128x128xf32, #tpu.memory_space<vmem>> -> memref<1x128x128xf32, #tpu.memory_space<vmem>>
        %dma_start3A_50 = tpu.memref_squeeze %dma_start3A_49 : memref<1x128x128xf32, #tpu.memory_space<vmem>> -> memref<128x128xf32, #tpu.memory_space<vmem>>
        %dma_start3A_51 = arith.constant 0 : i32
        %dma_start3A_52 = tpu.memref_slice %arg6[%add3A_36, %dma_start3A_51] : memref<10008x128xf32, #tpu.memory_space<vmem_shared>> -> memref<128x128xf32, #tpu.memory_space<vmem_shared>>
        %dma_start3A_53 = arith.constant 0 : i32
        %dma_start3A_54 = tpu.memref_slice %arg6[%add3A_36, %dma_start3A_53] : memref<10008x128xf32, #tpu.memory_space<vmem_shared>> -> memref<128x128xf32, #tpu.memory_space<vmem_shared>>
        %dma_start3A_55 = arith.constant 0 : i32
        %dma_start3A_56 = arith.constant 0 : i32
        %dma_start3A_57 = tpu.memref_slice %arg9[%run_scoped3A_37, %dma_start3A_55, %dma_start3A_56] : memref<2x128x128xf32, #tpu.memory_space<vmem>> -> memref<1x128x128xf32, #tpu.memory_space<vmem>>
        %dma_start3A_58 = tpu.memref_squeeze %dma_start3A_57 : memref<1x128x128xf32, #tpu.memory_space<vmem>> -> memref<128x128xf32, #tpu.memory_space<vmem>>
        tpu.enqueue_dma source(%dma_start3A_58 : memref<128x128xf32, #tpu.memory_space<vmem>>) target(%dma_start3A_54 : memref<128x128xf32, #tpu.memory_space<vmem_shared>>) target_semaphore(%run_scoped3A_47 : memref<!tpu.dma_semaphore, #tpu.memory_space<semaphore_mem>>)
        %dma_wait3A = arith.constant 0 : i32
        %dma_wait3A_59 = arith.constant 0 : i32
        %dma_wait3A_60 = tpu.memref_slice %arg9[%run_scoped3A_37, %dma_wait3A, %dma_wait3A_59] : memref<2x128x128xf32, #tpu.memory_space<vmem>> -> memref<1x128x128xf32, #tpu.memory_space<vmem>>
        %dma_wait3A_61 = tpu.memref_squeeze %dma_wait3A_60 : memref<1x128x128xf32, #tpu.memory_space<vmem>> -> memref<128x128xf32, #tpu.memory_space<vmem>>
        %dma_wait3A_62 = arith.constant 0 : i32
        %dma_wait3A_63 = tpu.memref_slice %arg6[%add3A_36, %dma_wait3A_62] : memref<10008x128xf32, #tpu.memory_space<vmem_shared>> -> memref<128x128xf32, #tpu.memory_space<vmem_shared>>
        %dma_wait3A_64 = arith.constant 0 : i32
        %dma_wait3A_65 = tpu.memref_slice %arg6[%add3A_36, %dma_wait3A_64] : memref<10008x128xf32, #tpu.memory_space<vmem_shared>> -> memref<128x128xf32, #tpu.memory_space<vmem_shared>>
        %dma_wait3A_66 = arith.constant 0 : i32
        %dma_wait3A_67 = arith.constant 0 : i32
        %dma_wait3A_68 = tpu.memref_slice %arg9[%run_scoped3A_37, %dma_wait3A_66, %dma_wait3A_67] : memref<2x128x128xf32, #tpu.memory_space<vmem>> -> memref<1x128x128xf32, #tpu.memory_space<vmem>>
        %dma_wait3A_69 = tpu.memref_squeeze %dma_wait3A_68 : memref<1x128x128xf32, #tpu.memory_space<vmem>> -> memref<128x128xf32, #tpu.memory_space<vmem>>
        tpu.wait_dma2 semaphore(%run_scoped3A_47 : memref<!tpu.dma_semaphore, #tpu.memory_space<semaphore_mem>>) src(%dma_wait3A_69 : memref<128x128xf32, #tpu.memory_space<vmem>>) dst(%dma_wait3A_65 : memref<128x128xf32, #tpu.memory_space<vmem_shared>>)
        tpu.yield
      }) : () -> ()
      %add3A_38 = arith.constant 256 : i32
      %add3A_39 = arith.addi %multiple_of3A, %add3A_38 : i32
      %run_scoped3A_40 = arith.constant 0 : i32
      "tpu.region"() ({
        %run_scoped3A_47 = tpu.sem_alloc : memref<!tpu.dma_semaphore, #tpu.memory_space<semaphore_mem>>
        %dma_start3A = arith.constant 0 : i32
        %dma_start3A_48 = arith.constant 0 : i32
        %dma_start3A_49 = tpu.memref_slice %arg9[%run_scoped3A_40, %dma_start3A, %dma_start3A_48] : memref<2x128x128xf32, #tpu.memory_space<vmem>> -> memref<1x128x128xf32, #tpu.memory_space<vmem>>
        %dma_start3A_50 = tpu.memref_squeeze %dma_start3A_49 : memref<1x128x128xf32, #tpu.memory_space<vmem>> -> memref<128x128xf32, #tpu.memory_space<vmem>>
        %dma_start3A_51 = arith.constant 0 : i32
        %dma_start3A_52 = tpu.memref_slice %arg6[%add3A_39, %dma_start3A_51] : memref<10008x128xf32, #tpu.memory_space<vmem_shared>> -> memref<128x128xf32, #tpu.memory_space<vmem_shared>>
        %dma_start3A_53 = arith.constant 0 : i32
        %dma_start3A_54 = tpu.memref_slice %arg6[%add3A_39, %dma_start3A_53] : memref<10008x128xf32, #tpu.memory_space<vmem_shared>> -> memref<128x128xf32, #tpu.memory_space<vmem_shared>>
        %dma_start3A_55 = arith.constant 0 : i32
        %dma_start3A_56 = arith.constant 0 : i32
        %dma_start3A_57 = tpu.memref_slice %arg9[%run_scoped3A_40, %dma_start3A_55, %dma_start3A_56] : memref<2x128x128xf32, #tpu.memory_space<vmem>> -> memref<1x128x128xf32, #tpu.memory_space<vmem>>
        %dma_start3A_58 = tpu.memref_squeeze %dma_start3A_57 : memref<1x128x128xf32, #tpu.memory_space<vmem>> -> memref<128x128xf32, #tpu.memory_space<vmem>>
        tpu.enqueue_dma source(%dma_start3A_58 : memref<128x128xf32, #tpu.memory_space<vmem>>) target(%dma_start3A_54 : memref<128x128xf32, #tpu.memory_space<vmem_shared>>) target_semaphore(%run_scoped3A_47 : memref<!tpu.dma_semaphore, #tpu.memory_space<semaphore_mem>>)
        %dma_wait3A = arith.constant 0 : i32
        %dma_wait3A_59 = arith.constant 0 : i32
        %dma_wait3A_60 = tpu.memref_slice %arg9[%run_scoped3A_40, %dma_wait3A, %dma_wait3A_59] : memref<2x128x128xf32, #tpu.memory_space<vmem>> -> memref<1x128x128xf32, #tpu.memory_space<vmem>>
        %dma_wait3A_61 = tpu.memref_squeeze %dma_wait3A_60 : memref<1x128x128xf32, #tpu.memory_space<vmem>> -> memref<128x128xf32, #tpu.memory_space<vmem>>
        %dma_wait3A_62 = arith.constant 0 : i32
        %dma_wait3A_63 = tpu.memref_slice %arg6[%add3A_39, %dma_wait3A_62] : memref<10008x128xf32, #tpu.memory_space<vmem_shared>> -> memref<128x128xf32, #tpu.memory_space<vmem_shared>>
        %dma_wait3A_64 = arith.constant 0 : i32
        %dma_wait3A_65 = tpu.memref_slice %arg6[%add3A_39, %dma_wait3A_64] : memref<10008x128xf32, #tpu.memory_space<vmem_shared>> -> memref<128x128xf32, #tpu.memory_space<vmem_shared>>
        %dma_wait3A_66 = arith.constant 0 : i32
        %dma_wait3A_67 = arith.constant 0 : i32
        %dma_wait3A_68 = tpu.memref_slice %arg9[%run_scoped3A_40, %dma_wait3A_66, %dma_wait3A_67] : memref<2x128x128xf32, #tpu.memory_space<vmem>> -> memref<1x128x128xf32, #tpu.memory_space<vmem>>
        %dma_wait3A_69 = tpu.memref_squeeze %dma_wait3A_68 : memref<1x128x128xf32, #tpu.memory_space<vmem>> -> memref<128x128xf32, #tpu.memory_space<vmem>>
        tpu.wait_dma2 semaphore(%run_scoped3A_47 : memref<!tpu.dma_semaphore, #tpu.memory_space<semaphore_mem>>) src(%dma_wait3A_69 : memref<128x128xf32, #tpu.memory_space<vmem>>) dst(%dma_wait3A_65 : memref<128x128xf32, #tpu.memory_space<vmem_shared>>)
        tpu.yield
      }) : () -> ()
      %add3A_41 = arith.constant 384 : i32
      %add3A_42 = arith.addi %multiple_of3A, %add3A_41 : i32
      %run_scoped3A_43 = arith.constant 0 : i32
      "tpu.region"() ({
        %run_scoped3A_47 = tpu.sem_alloc : memref<!tpu.dma_semaphore, #tpu.memory_space<semaphore_mem>>
        %dma_start3A = arith.constant 0 : i32
        %dma_start3A_48 = arith.constant 0 : i32
        %dma_start3A_49 = tpu.memref_slice %arg9[%run_scoped3A_43, %dma_start3A, %dma_start3A_48] : memref<2x128x128xf32, #tpu.memory_space<vmem>> -> memref<1x128x128xf32, #tpu.memory_space<vmem>>
        %dma_start3A_50 = tpu.memref_squeeze %dma_start3A_49 : memref<1x128x128xf32, #tpu.memory_space<vmem>> -> memref<128x128xf32, #tpu.memory_space<vmem>>
        %dma_start3A_51 = arith.constant 0 : i32
        %dma_start3A_52 = tpu.memref_slice %arg6[%add3A_42, %dma_start3A_51] : memref<10008x128xf32, #tpu.memory_space<vmem_shared>> -> memref<128x128xf32, #tpu.memory_space<vmem_shared>>
        %dma_start3A_53 = arith.constant 0 : i32
        %dma_start3A_54 = tpu.memref_slice %arg6[%add3A_42, %dma_start3A_53] : memref<10008x128xf32, #tpu.memory_space<vmem_shared>> -> memref<128x128xf32, #tpu.memory_space<vmem_shared>>
        %dma_start3A_55 = arith.constant 0 : i32
        %dma_start3A_56 = arith.constant 0 : i32
        %dma_start3A_57 = tpu.memref_slice %arg9[%run_scoped3A_43, %dma_start3A_55, %dma_start3A_56] : memref<2x128x128xf32, #tpu.memory_space<vmem>> -> memref<1x128x128xf32, #tpu.memory_space<vmem>>
        %dma_start3A_58 = tpu.memref_squeeze %dma_start3A_57 : memref<1x128x128xf32, #tpu.memory_space<vmem>> -> memref<128x128xf32, #tpu.memory_space<vmem>>
        tpu.enqueue_dma source(%dma_start3A_58 : memref<128x128xf32, #tpu.memory_space<vmem>>) target(%dma_start3A_54 : memref<128x128xf32, #tpu.memory_space<vmem_shared>>) target_semaphore(%run_scoped3A_47 : memref<!tpu.dma_semaphore, #tpu.memory_space<semaphore_mem>>)
        %dma_wait3A = arith.constant 0 : i32
        %dma_wait3A_59 = arith.constant 0 : i32
        %dma_wait3A_60 = tpu.memref_slice %arg9[%run_scoped3A_43, %dma_wait3A, %dma_wait3A_59] : memref<2x128x128xf32, #tpu.memory_space<vmem>> -> memref<1x128x128xf32, #tpu.memory_space<vmem>>
        %dma_wait3A_61 = tpu.memref_squeeze %dma_wait3A_60 : memref<1x128x128xf32, #tpu.memory_space<vmem>> -> memref<128x128xf32, #tpu.memory_space<vmem>>
        %dma_wait3A_62 = arith.constant 0 : i32
        %dma_wait3A_63 = tpu.memref_slice %arg6[%add3A_42, %dma_wait3A_62] : memref<10008x128xf32, #tpu.memory_space<vmem_shared>> -> memref<128x128xf32, #tpu.memory_space<vmem_shared>>
        %dma_wait3A_64 = arith.constant 0 : i32
        %dma_wait3A_65 = tpu.memref_slice %arg6[%add3A_42, %dma_wait3A_64] : memref<10008x128xf32, #tpu.memory_space<vmem_shared>> -> memref<128x128xf32, #tpu.memory_space<vmem_shared>>
        %dma_wait3A_66 = arith.constant 0 : i32
        %dma_wait3A_67 = arith.constant 0 : i32
        %dma_wait3A_68 = tpu.memref_slice %arg9[%run_scoped3A_43, %dma_wait3A_66, %dma_wait3A_67] : memref<2x128x128xf32, #tpu.memory_space<vmem>> -> memref<1x128x128xf32, #tpu.memory_space<vmem>>
        %dma_wait3A_69 = tpu.memref_squeeze %dma_wait3A_68 : memref<1x128x128xf32, #tpu.memory_space<vmem>> -> memref<128x128xf32, #tpu.memory_space<vmem>>
        tpu.wait_dma2 semaphore(%run_scoped3A_47 : memref<!tpu.dma_semaphore, #tpu.memory_space<semaphore_mem>>) src(%dma_wait3A_69 : memref<128x128xf32, #tpu.memory_space<vmem>>) dst(%dma_wait3A_65 : memref<128x128xf32, #tpu.memory_space<vmem_shared>>)
        tpu.yield
      }) : () -> ()
      %add3A_44 = arith.constant 512 : i32
      %add3A_45 = arith.addi %multiple_of3A, %add3A_44 : i32
      %run_scoped3A_46 = arith.constant 0 : i32
      "tpu.region"() ({
        %run_scoped3A_47 = tpu.sem_alloc : memref<!tpu.dma_semaphore, #tpu.memory_space<semaphore_mem>>
        %dma_start3A = arith.constant 0 : i32
        %dma_start3A_48 = arith.constant 0 : i32
        %dma_start3A_49 = tpu.memref_slice %arg9[%run_scoped3A_46, %dma_start3A, %dma_start3A_48] : memref<2x128x128xf32, #tpu.memory_space<vmem>> -> memref<1x112x128xf32, #tpu.memory_space<vmem>>
        %dma_start3A_50 = tpu.memref_squeeze %dma_start3A_49 : memref<1x112x128xf32, #tpu.memory_space<vmem>> -> memref<112x128xf32, #tpu.memory_space<vmem>>
        %dma_start3A_51 = arith.constant 0 : i32
        %dma_start3A_52 = tpu.memref_slice %arg6[%add3A_45, %dma_start3A_51] : memref<10008x128xf32, #tpu.memory_space<vmem_shared>> -> memref<112x128xf32, #tpu.memory_space<vmem_shared>>
        %dma_start3A_53 = arith.constant 0 : i32
        %dma_start3A_54 = tpu.memref_slice %arg6[%add3A_45, %dma_start3A_53] : memref<10008x128xf32, #tpu.memory_space<vmem_shared>> -> memref<112x128xf32, #tpu.memory_space<vmem_shared>>
        %dma_start3A_55 = arith.constant 0 : i32
        %dma_start3A_56 = arith.constant 0 : i32
        %dma_start3A_57 = tpu.memref_slice %arg9[%run_scoped3A_46, %dma_start3A_55, %dma_start3A_56] : memref<2x128x128xf32, #tpu.memory_space<vmem>> -> memref<1x112x128xf32, #tpu.memory_space<vmem>>
        %dma_start3A_58 = tpu.memref_squeeze %dma_start3A_57 : memref<1x112x128xf32, #tpu.memory_space<vmem>> -> memref<112x128xf32, #tpu.memory_space<vmem>>
        tpu.enqueue_dma source(%dma_start3A_58 : memref<112x128xf32, #tpu.memory_space<vmem>>) target(%dma_start3A_54 : memref<112x128xf32, #tpu.memory_space<vmem_shared>>) target_semaphore(%run_scoped3A_47 : memref<!tpu.dma_semaphore, #tpu.memory_space<semaphore_mem>>)
        %dma_wait3A = arith.constant 0 : i32
        %dma_wait3A_59 = arith.constant 0 : i32
        %dma_wait3A_60 = tpu.memref_slice %arg9[%run_scoped3A_46, %dma_wait3A, %dma_wait3A_59] : memref<2x128x128xf32, #tpu.memory_space<vmem>> -> memref<1x112x128xf32, #tpu.memory_space<vmem>>
        %dma_wait3A_61 = tpu.memref_squeeze %dma_wait3A_60 : memref<1x112x128xf32, #tpu.memory_space<vmem>> -> memref<112x128xf32, #tpu.memory_space<vmem>>
        %dma_wait3A_62 = arith.constant 0 : i32
        %dma_wait3A_63 = tpu.memref_slice %arg6[%add3A_45, %dma_wait3A_62] : memref<10008x128xf32, #tpu.memory_space<vmem_shared>> -> memref<112x128xf32, #tpu.memory_space<vmem_shared>>
        %dma_wait3A_64 = arith.constant 0 : i32
        %dma_wait3A_65 = tpu.memref_slice %arg6[%add3A_45, %dma_wait3A_64] : memref<10008x128xf32, #tpu.memory_space<vmem_shared>> -> memref<112x128xf32, #tpu.memory_space<vmem_shared>>
        %dma_wait3A_66 = arith.constant 0 : i32
        %dma_wait3A_67 = arith.constant 0 : i32
        %dma_wait3A_68 = tpu.memref_slice %arg9[%run_scoped3A_46, %dma_wait3A_66, %dma_wait3A_67] : memref<2x128x128xf32, #tpu.memory_space<vmem>> -> memref<1x112x128xf32, #tpu.memory_space<vmem>>
        %dma_wait3A_69 = tpu.memref_squeeze %dma_wait3A_68 : memref<1x112x128xf32, #tpu.memory_space<vmem>> -> memref<112x128xf32, #tpu.memory_space<vmem>>
        tpu.wait_dma2 semaphore(%run_scoped3A_47 : memref<!tpu.dma_semaphore, #tpu.memory_space<semaphore_mem>>) src(%dma_wait3A_69 : memref<112x128xf32, #tpu.memory_space<vmem>>) dst(%dma_wait3A_65 : memref<112x128xf32, #tpu.memory_space<vmem_shared>>)
        tpu.yield
      }) : () -> ()
    } else {
    }
    %eq3A = arith.constant 15 : i32
    %eq3A_9 = arith.cmpi eq, %arg1, %eq3A : i32
    %convert_element_type3A_10 = arith.extui %eq3A_9 : i1 to i32
    %cond3A_11 = arith.constant 0 : i32
    %cond3A_12 = arith.cmpi ne, %convert_element_type3A_10, %cond3A_11 : i32
    scf.if %cond3A_12 {
      %run_scoped3A = arith.constant 0 : i32
      "tpu.region"() ({
        %run_scoped3A_39 = tpu.sem_alloc : memref<!tpu.dma_semaphore, #tpu.memory_space<semaphore_mem>>
        %dma_start3A = arith.constant 0 : i32
        %dma_start3A_40 = arith.constant 0 : i32
        %dma_start3A_41 = tpu.memref_slice %arg9[%run_scoped3A, %dma_start3A, %dma_start3A_40] : memref<2x128x128xf32, #tpu.memory_space<vmem>> -> memref<1x128x128xf32, #tpu.memory_space<vmem>>
        %dma_start3A_42 = tpu.memref_squeeze %dma_start3A_41 : memref<1x128x128xf32, #tpu.memory_space<vmem>> -> memref<128x128xf32, #tpu.memory_space<vmem>>
        %dma_start3A_43 = arith.constant 9360 : i32
        %dma_start3A_44 = arith.constant 0 : i32
        %dma_start3A_45 = tpu.memref_slice %arg6[%dma_start3A_43, %dma_start3A_44] : memref<10008x128xf32, #tpu.memory_space<vmem_shared>> -> memref<128x128xf32, #tpu.memory_space<vmem_shared>>
        %dma_start3A_46 = arith.constant 9360 : i32
        %dma_start3A_47 = arith.constant 0 : i32
        %dma_start3A_48 = tpu.memref_slice %arg6[%dma_start3A_46, %dma_start3A_47] : memref<10008x128xf32, #tpu.memory_space<vmem_shared>> -> memref<128x128xf32, #tpu.memory_space<vmem_shared>>
        %dma_start3A_49 = arith.constant 0 : i32
        %dma_start3A_50 = arith.constant 0 : i32
        %dma_start3A_51 = tpu.memref_slice %arg9[%run_scoped3A, %dma_start3A_49, %dma_start3A_50] : memref<2x128x128xf32, #tpu.memory_space<vmem>> -> memref<1x128x128xf32, #tpu.memory_space<vmem>>
        %dma_start3A_52 = tpu.memref_squeeze %dma_start3A_51 : memref<1x128x128xf32, #tpu.memory_space<vmem>> -> memref<128x128xf32, #tpu.memory_space<vmem>>
        tpu.enqueue_dma source(%dma_start3A_52 : memref<128x128xf32, #tpu.memory_space<vmem>>) target(%dma_start3A_48 : memref<128x128xf32, #tpu.memory_space<vmem_shared>>) target_semaphore(%run_scoped3A_39 : memref<!tpu.dma_semaphore, #tpu.memory_space<semaphore_mem>>)
        %dma_wait3A = arith.constant 0 : i32
        %dma_wait3A_53 = arith.constant 0 : i32
        %dma_wait3A_54 = tpu.memref_slice %arg9[%run_scoped3A, %dma_wait3A, %dma_wait3A_53] : memref<2x128x128xf32, #tpu.memory_space<vmem>> -> memref<1x128x128xf32, #tpu.memory_space<vmem>>
        %dma_wait3A_55 = tpu.memref_squeeze %dma_wait3A_54 : memref<1x128x128xf32, #tpu.memory_space<vmem>> -> memref<128x128xf32, #tpu.memory_space<vmem>>
        %dma_wait3A_56 = arith.constant 9360 : i32
        %dma_wait3A_57 = arith.constant 0 : i32
        %dma_wait3A_58 = tpu.memref_slice %arg6[%dma_wait3A_56, %dma_wait3A_57] : memref<10008x128xf32, #tpu.memory_space<vmem_shared>> -> memref<128x128xf32, #tpu.memory_space<vmem_shared>>
        %dma_wait3A_59 = arith.constant 9360 : i32
        %dma_wait3A_60 = arith.constant 0 : i32
        %dma_wait3A_61 = tpu.memref_slice %arg6[%dma_wait3A_59, %dma_wait3A_60] : memref<10008x128xf32, #tpu.memory_space<vmem_shared>> -> memref<128x128xf32, #tpu.memory_space<vmem_shared>>
        %dma_wait3A_62 = arith.constant 0 : i32
        %dma_wait3A_63 = arith.constant 0 : i32
        %dma_wait3A_64 = tpu.memref_slice %arg9[%run_scoped3A, %dma_wait3A_62, %dma_wait3A_63] : memref<2x128x128xf32, #tpu.memory_space<vmem>> -> memref<1x128x128xf32, #tpu.memory_space<vmem>>
        %dma_wait3A_65 = tpu.memref_squeeze %dma_wait3A_64 : memref<1x128x128xf32, #tpu.memory_space<vmem>> -> memref<128x128xf32, #tpu.memory_space<vmem>>
        tpu.wait_dma2 semaphore(%run_scoped3A_39 : memref<!tpu.dma_semaphore, #tpu.memory_space<semaphore_mem>>) src(%dma_wait3A_65 : memref<128x128xf32, #tpu.memory_space<vmem>>) dst(%dma_wait3A_61 : memref<128x128xf32, #tpu.memory_space<vmem_shared>>)
        tpu.yield
      }) : () -> ()
      %run_scoped3A_34 = arith.constant 0 : i32
      "tpu.region"() ({
        %run_scoped3A_39 = tpu.sem_alloc : memref<!tpu.dma_semaphore, #tpu.memory_space<semaphore_mem>>
        %dma_start3A = arith.constant 0 : i32
        %dma_start3A_40 = arith.constant 0 : i32
        %dma_start3A_41 = tpu.memref_slice %arg9[%run_scoped3A_34, %dma_start3A, %dma_start3A_40] : memref<2x128x128xf32, #tpu.memory_space<vmem>> -> memref<1x128x128xf32, #tpu.memory_space<vmem>>
        %dma_start3A_42 = tpu.memref_squeeze %dma_start3A_41 : memref<1x128x128xf32, #tpu.memory_space<vmem>> -> memref<128x128xf32, #tpu.memory_space<vmem>>
        %dma_start3A_43 = arith.constant 9488 : i32
        %dma_start3A_44 = arith.constant 0 : i32
        %dma_start3A_45 = tpu.memref_slice %arg6[%dma_start3A_43, %dma_start3A_44] : memref<10008x128xf32, #tpu.memory_space<vmem_shared>> -> memref<128x128xf32, #tpu.memory_space<vmem_shared>>
        %dma_start3A_46 = arith.constant 9488 : i32
        %dma_start3A_47 = arith.constant 0 : i32
        %dma_start3A_48 = tpu.memref_slice %arg6[%dma_start3A_46, %dma_start3A_47] : memref<10008x128xf32, #tpu.memory_space<vmem_shared>> -> memref<128x128xf32, #tpu.memory_space<vmem_shared>>
        %dma_start3A_49 = arith.constant 0 : i32
        %dma_start3A_50 = arith.constant 0 : i32
        %dma_start3A_51 = tpu.memref_slice %arg9[%run_scoped3A_34, %dma_start3A_49, %dma_start3A_50] : memref<2x128x128xf32, #tpu.memory_space<vmem>> -> memref<1x128x128xf32, #tpu.memory_space<vmem>>
        %dma_start3A_52 = tpu.memref_squeeze %dma_start3A_51 : memref<1x128x128xf32, #tpu.memory_space<vmem>> -> memref<128x128xf32, #tpu.memory_space<vmem>>
        tpu.enqueue_dma source(%dma_start3A_52 : memref<128x128xf32, #tpu.memory_space<vmem>>) target(%dma_start3A_48 : memref<128x128xf32, #tpu.memory_space<vmem_shared>>) target_semaphore(%run_scoped3A_39 : memref<!tpu.dma_semaphore, #tpu.memory_space<semaphore_mem>>)
        %dma_wait3A = arith.constant 0 : i32
        %dma_wait3A_53 = arith.constant 0 : i32
        %dma_wait3A_54 = tpu.memref_slice %arg9[%run_scoped3A_34, %dma_wait3A, %dma_wait3A_53] : memref<2x128x128xf32, #tpu.memory_space<vmem>> -> memref<1x128x128xf32, #tpu.memory_space<vmem>>
        %dma_wait3A_55 = tpu.memref_squeeze %dma_wait3A_54 : memref<1x128x128xf32, #tpu.memory_space<vmem>> -> memref<128x128xf32, #tpu.memory_space<vmem>>
        %dma_wait3A_56 = arith.constant 9488 : i32
        %dma_wait3A_57 = arith.constant 0 : i32
        %dma_wait3A_58 = tpu.memref_slice %arg6[%dma_wait3A_56, %dma_wait3A_57] : memref<10008x128xf32, #tpu.memory_space<vmem_shared>> -> memref<128x128xf32, #tpu.memory_space<vmem_shared>>
        %dma_wait3A_59 = arith.constant 9488 : i32
        %dma_wait3A_60 = arith.constant 0 : i32
        %dma_wait3A_61 = tpu.memref_slice %arg6[%dma_wait3A_59, %dma_wait3A_60] : memref<10008x128xf32, #tpu.memory_space<vmem_shared>> -> memref<128x128xf32, #tpu.memory_space<vmem_shared>>
        %dma_wait3A_62 = arith.constant 0 : i32
        %dma_wait3A_63 = arith.constant 0 : i32
        %dma_wait3A_64 = tpu.memref_slice %arg9[%run_scoped3A_34, %dma_wait3A_62, %dma_wait3A_63] : memref<2x128x128xf32, #tpu.memory_space<vmem>> -> memref<1x128x128xf32, #tpu.memory_space<vmem>>
        %dma_wait3A_65 = tpu.memref_squeeze %dma_wait3A_64 : memref<1x128x128xf32, #tpu.memory_space<vmem>> -> memref<128x128xf32, #tpu.memory_space<vmem>>
        tpu.wait_dma2 semaphore(%run_scoped3A_39 : memref<!tpu.dma_semaphore, #tpu.memory_space<semaphore_mem>>) src(%dma_wait3A_65 : memref<128x128xf32, #tpu.memory_space<vmem>>) dst(%dma_wait3A_61 : memref<128x128xf32, #tpu.memory_space<vmem_shared>>)
        tpu.yield
      }) : () -> ()
      %run_scoped3A_35 = arith.constant 0 : i32
      "tpu.region"() ({
        %run_scoped3A_39 = tpu.sem_alloc : memref<!tpu.dma_semaphore, #tpu.memory_space<semaphore_mem>>
        %dma_start3A = arith.constant 0 : i32
        %dma_start3A_40 = arith.constant 0 : i32
        %dma_start3A_41 = tpu.memref_slice %arg9[%run_scoped3A_35, %dma_start3A, %dma_start3A_40] : memref<2x128x128xf32, #tpu.memory_space<vmem>> -> memref<1x128x128xf32, #tpu.memory_space<vmem>>
        %dma_start3A_42 = tpu.memref_squeeze %dma_start3A_41 : memref<1x128x128xf32, #tpu.memory_space<vmem>> -> memref<128x128xf32, #tpu.memory_space<vmem>>
        %dma_start3A_43 = arith.constant 9616 : i32
        %dma_start3A_44 = arith.constant 0 : i32
        %dma_start3A_45 = tpu.memref_slice %arg6[%dma_start3A_43, %dma_start3A_44] : memref<10008x128xf32, #tpu.memory_space<vmem_shared>> -> memref<128x128xf32, #tpu.memory_space<vmem_shared>>
        %dma_start3A_46 = arith.constant 9616 : i32
        %dma_start3A_47 = arith.constant 0 : i32
        %dma_start3A_48 = tpu.memref_slice %arg6[%dma_start3A_46, %dma_start3A_47] : memref<10008x128xf32, #tpu.memory_space<vmem_shared>> -> memref<128x128xf32, #tpu.memory_space<vmem_shared>>
        %dma_start3A_49 = arith.constant 0 : i32
        %dma_start3A_50 = arith.constant 0 : i32
        %dma_start3A_51 = tpu.memref_slice %arg9[%run_scoped3A_35, %dma_start3A_49, %dma_start3A_50] : memref<2x128x128xf32, #tpu.memory_space<vmem>> -> memref<1x128x128xf32, #tpu.memory_space<vmem>>
        %dma_start3A_52 = tpu.memref_squeeze %dma_start3A_51 : memref<1x128x128xf32, #tpu.memory_space<vmem>> -> memref<128x128xf32, #tpu.memory_space<vmem>>
        tpu.enqueue_dma source(%dma_start3A_52 : memref<128x128xf32, #tpu.memory_space<vmem>>) target(%dma_start3A_48 : memref<128x128xf32, #tpu.memory_space<vmem_shared>>) target_semaphore(%run_scoped3A_39 : memref<!tpu.dma_semaphore, #tpu.memory_space<semaphore_mem>>)
        %dma_wait3A = arith.constant 0 : i32
        %dma_wait3A_53 = arith.constant 0 : i32
        %dma_wait3A_54 = tpu.memref_slice %arg9[%run_scoped3A_35, %dma_wait3A, %dma_wait3A_53] : memref<2x128x128xf32, #tpu.memory_space<vmem>> -> memref<1x128x128xf32, #tpu.memory_space<vmem>>
        %dma_wait3A_55 = tpu.memref_squeeze %dma_wait3A_54 : memref<1x128x128xf32, #tpu.memory_space<vmem>> -> memref<128x128xf32, #tpu.memory_space<vmem>>
        %dma_wait3A_56 = arith.constant 9616 : i32
        %dma_wait3A_57 = arith.constant 0 : i32
        %dma_wait3A_58 = tpu.memref_slice %arg6[%dma_wait3A_56, %dma_wait3A_57] : memref<10008x128xf32, #tpu.memory_space<vmem_shared>> -> memref<128x128xf32, #tpu.memory_space<vmem_shared>>
        %dma_wait3A_59 = arith.constant 9616 : i32
        %dma_wait3A_60 = arith.constant 0 : i32
        %dma_wait3A_61 = tpu.memref_slice %arg6[%dma_wait3A_59, %dma_wait3A_60] : memref<10008x128xf32, #tpu.memory_space<vmem_shared>> -> memref<128x128xf32, #tpu.memory_space<vmem_shared>>
        %dma_wait3A_62 = arith.constant 0 : i32
        %dma_wait3A_63 = arith.constant 0 : i32
        %dma_wait3A_64 = tpu.memref_slice %arg9[%run_scoped3A_35, %dma_wait3A_62, %dma_wait3A_63] : memref<2x128x128xf32, #tpu.memory_space<vmem>> -> memref<1x128x128xf32, #tpu.memory_space<vmem>>
        %dma_wait3A_65 = tpu.memref_squeeze %dma_wait3A_64 : memref<1x128x128xf32, #tpu.memory_space<vmem>> -> memref<128x128xf32, #tpu.memory_space<vmem>>
        tpu.wait_dma2 semaphore(%run_scoped3A_39 : memref<!tpu.dma_semaphore, #tpu.memory_space<semaphore_mem>>) src(%dma_wait3A_65 : memref<128x128xf32, #tpu.memory_space<vmem>>) dst(%dma_wait3A_61 : memref<128x128xf32, #tpu.memory_space<vmem_shared>>)
        tpu.yield
      }) : () -> ()
      %run_scoped3A_36 = arith.constant 0 : i32
      "tpu.region"() ({
        %run_scoped3A_39 = tpu.sem_alloc : memref<!tpu.dma_semaphore, #tpu.memory_space<semaphore_mem>>
        %dma_start3A = arith.constant 0 : i32
        %dma_start3A_40 = arith.constant 0 : i32
        %dma_start3A_41 = tpu.memref_slice %arg9[%run_scoped3A_36, %dma_start3A, %dma_start3A_40] : memref<2x128x128xf32, #tpu.memory_space<vmem>> -> memref<1x128x128xf32, #tpu.memory_space<vmem>>
        %dma_start3A_42 = tpu.memref_squeeze %dma_start3A_41 : memref<1x128x128xf32, #tpu.memory_space<vmem>> -> memref<128x128xf32, #tpu.memory_space<vmem>>
        %dma_start3A_43 = arith.constant 9744 : i32
        %dma_start3A_44 = arith.constant 0 : i32
        %dma_start3A_45 = tpu.memref_slice %arg6[%dma_start3A_43, %dma_start3A_44] : memref<10008x128xf32, #tpu.memory_space<vmem_shared>> -> memref<128x128xf32, #tpu.memory_space<vmem_shared>>
        %dma_start3A_46 = arith.constant 9744 : i32
        %dma_start3A_47 = arith.constant 0 : i32
        %dma_start3A_48 = tpu.memref_slice %arg6[%dma_start3A_46, %dma_start3A_47] : memref<10008x128xf32, #tpu.memory_space<vmem_shared>> -> memref<128x128xf32, #tpu.memory_space<vmem_shared>>
        %dma_start3A_49 = arith.constant 0 : i32
        %dma_start3A_50 = arith.constant 0 : i32
        %dma_start3A_51 = tpu.memref_slice %arg9[%run_scoped3A_36, %dma_start3A_49, %dma_start3A_50] : memref<2x128x128xf32, #tpu.memory_space<vmem>> -> memref<1x128x128xf32, #tpu.memory_space<vmem>>
        %dma_start3A_52 = tpu.memref_squeeze %dma_start3A_51 : memref<1x128x128xf32, #tpu.memory_space<vmem>> -> memref<128x128xf32, #tpu.memory_space<vmem>>
        tpu.enqueue_dma source(%dma_start3A_52 : memref<128x128xf32, #tpu.memory_space<vmem>>) target(%dma_start3A_48 : memref<128x128xf32, #tpu.memory_space<vmem_shared>>) target_semaphore(%run_scoped3A_39 : memref<!tpu.dma_semaphore, #tpu.memory_space<semaphore_mem>>)
        %dma_wait3A = arith.constant 0 : i32
        %dma_wait3A_53 = arith.constant 0 : i32
        %dma_wait3A_54 = tpu.memref_slice %arg9[%run_scoped3A_36, %dma_wait3A, %dma_wait3A_53] : memref<2x128x128xf32, #tpu.memory_space<vmem>> -> memref<1x128x128xf32, #tpu.memory_space<vmem>>
        %dma_wait3A_55 = tpu.memref_squeeze %dma_wait3A_54 : memref<1x128x128xf32, #tpu.memory_space<vmem>> -> memref<128x128xf32, #tpu.memory_space<vmem>>
        %dma_wait3A_56 = arith.constant 9744 : i32
        %dma_wait3A_57 = arith.constant 0 : i32
        %dma_wait3A_58 = tpu.memref_slice %arg6[%dma_wait3A_56, %dma_wait3A_57] : memref<10008x128xf32, #tpu.memory_space<vmem_shared>> -> memref<128x128xf32, #tpu.memory_space<vmem_shared>>
        %dma_wait3A_59 = arith.constant 9744 : i32
        %dma_wait3A_60 = arith.constant 0 : i32
        %dma_wait3A_61 = tpu.memref_slice %arg6[%dma_wait3A_59, %dma_wait3A_60] : memref<10008x128xf32, #tpu.memory_space<vmem_shared>> -> memref<128x128xf32, #tpu.memory_space<vmem_shared>>
        %dma_wait3A_62 = arith.constant 0 : i32
        %dma_wait3A_63 = arith.constant 0 : i32
        %dma_wait3A_64 = tpu.memref_slice %arg9[%run_scoped3A_36, %dma_wait3A_62, %dma_wait3A_63] : memref<2x128x128xf32, #tpu.memory_space<vmem>> -> memref<1x128x128xf32, #tpu.memory_space<vmem>>
        %dma_wait3A_65 = tpu.memref_squeeze %dma_wait3A_64 : memref<1x128x128xf32, #tpu.memory_space<vmem>> -> memref<128x128xf32, #tpu.memory_space<vmem>>
        tpu.wait_dma2 semaphore(%run_scoped3A_39 : memref<!tpu.dma_semaphore, #tpu.memory_space<semaphore_mem>>) src(%dma_wait3A_65 : memref<128x128xf32, #tpu.memory_space<vmem>>) dst(%dma_wait3A_61 : memref<128x128xf32, #tpu.memory_space<vmem_shared>>)
        tpu.yield
      }) : () -> ()
      %run_scoped3A_37 = arith.constant 0 : i32
      "tpu.region"() ({
        %run_scoped3A_39 = tpu.sem_alloc : memref<!tpu.dma_semaphore, #tpu.memory_space<semaphore_mem>>
        %dma_start3A = arith.constant 0 : i32
        %dma_start3A_40 = arith.constant 0 : i32
        %dma_start3A_41 = tpu.memref_slice %arg9[%run_scoped3A_37, %dma_start3A, %dma_start3A_40] : memref<2x128x128xf32, #tpu.memory_space<vmem>> -> memref<1x128x128xf32, #tpu.memory_space<vmem>>
        %dma_start3A_42 = tpu.memref_squeeze %dma_start3A_41 : memref<1x128x128xf32, #tpu.memory_space<vmem>> -> memref<128x128xf32, #tpu.memory_space<vmem>>
        %dma_start3A_43 = arith.constant 9872 : i32
        %dma_start3A_44 = arith.constant 0 : i32
        %dma_start3A_45 = tpu.memref_slice %arg6[%dma_start3A_43, %dma_start3A_44] : memref<10008x128xf32, #tpu.memory_space<vmem_shared>> -> memref<128x128xf32, #tpu.memory_space<vmem_shared>>
        %dma_start3A_46 = arith.constant 9872 : i32
        %dma_start3A_47 = arith.constant 0 : i32
        %dma_start3A_48 = tpu.memref_slice %arg6[%dma_start3A_46, %dma_start3A_47] : memref<10008x128xf32, #tpu.memory_space<vmem_shared>> -> memref<128x128xf32, #tpu.memory_space<vmem_shared>>
        %dma_start3A_49 = arith.constant 0 : i32
        %dma_start3A_50 = arith.constant 0 : i32
        %dma_start3A_51 = tpu.memref_slice %arg9[%run_scoped3A_37, %dma_start3A_49, %dma_start3A_50] : memref<2x128x128xf32, #tpu.memory_space<vmem>> -> memref<1x128x128xf32, #tpu.memory_space<vmem>>
        %dma_start3A_52 = tpu.memref_squeeze %dma_start3A_51 : memref<1x128x128xf32, #tpu.memory_space<vmem>> -> memref<128x128xf32, #tpu.memory_space<vmem>>
        tpu.enqueue_dma source(%dma_start3A_52 : memref<128x128xf32, #tpu.memory_space<vmem>>) target(%dma_start3A_48 : memref<128x128xf32, #tpu.memory_space<vmem_shared>>) target_semaphore(%run_scoped3A_39 : memref<!tpu.dma_semaphore, #tpu.memory_space<semaphore_mem>>)
        %dma_wait3A = arith.constant 0 : i32
        %dma_wait3A_53 = arith.constant 0 : i32
        %dma_wait3A_54 = tpu.memref_slice %arg9[%run_scoped3A_37, %dma_wait3A, %dma_wait3A_53] : memref<2x128x128xf32, #tpu.memory_space<vmem>> -> memref<1x128x128xf32, #tpu.memory_space<vmem>>
        %dma_wait3A_55 = tpu.memref_squeeze %dma_wait3A_54 : memref<1x128x128xf32, #tpu.memory_space<vmem>> -> memref<128x128xf32, #tpu.memory_space<vmem>>
        %dma_wait3A_56 = arith.constant 9872 : i32
        %dma_wait3A_57 = arith.constant 0 : i32
        %dma_wait3A_58 = tpu.memref_slice %arg6[%dma_wait3A_56, %dma_wait3A_57] : memref<10008x128xf32, #tpu.memory_space<vmem_shared>> -> memref<128x128xf32, #tpu.memory_space<vmem_shared>>
        %dma_wait3A_59 = arith.constant 9872 : i32
        %dma_wait3A_60 = arith.constant 0 : i32
        %dma_wait3A_61 = tpu.memref_slice %arg6[%dma_wait3A_59, %dma_wait3A_60] : memref<10008x128xf32, #tpu.memory_space<vmem_shared>> -> memref<128x128xf32, #tpu.memory_space<vmem_shared>>
        %dma_wait3A_62 = arith.constant 0 : i32
        %dma_wait3A_63 = arith.constant 0 : i32
        %dma_wait3A_64 = tpu.memref_slice %arg9[%run_scoped3A_37, %dma_wait3A_62, %dma_wait3A_63] : memref<2x128x128xf32, #tpu.memory_space<vmem>> -> memref<1x128x128xf32, #tpu.memory_space<vmem>>
        %dma_wait3A_65 = tpu.memref_squeeze %dma_wait3A_64 : memref<1x128x128xf32, #tpu.memory_space<vmem>> -> memref<128x128xf32, #tpu.memory_space<vmem>>
        tpu.wait_dma2 semaphore(%run_scoped3A_39 : memref<!tpu.dma_semaphore, #tpu.memory_space<semaphore_mem>>) src(%dma_wait3A_65 : memref<128x128xf32, #tpu.memory_space<vmem>>) dst(%dma_wait3A_61 : memref<128x128xf32, #tpu.memory_space<vmem_shared>>)
        tpu.yield
      }) : () -> ()
      %run_scoped3A_38 = arith.constant 0 : i32
      "tpu.region"() ({
        %run_scoped3A_39 = tpu.sem_alloc : memref<!tpu.dma_semaphore, #tpu.memory_space<semaphore_mem>>
        %dma_start3A = arith.constant 0 : i32
        %dma_start3A_40 = arith.constant 0 : i32
        %dma_start3A_41 = tpu.memref_slice %arg9[%run_scoped3A_38, %dma_start3A, %dma_start3A_40] : memref<2x128x128xf32, #tpu.memory_space<vmem>> -> memref<1x8x128xf32, #tpu.memory_space<vmem>>
        %dma_start3A_42 = tpu.memref_squeeze %dma_start3A_41 : memref<1x8x128xf32, #tpu.memory_space<vmem>> -> memref<8x128xf32, #tpu.memory_space<vmem>>
        %dma_start3A_43 = arith.constant 10000 : i32
        %dma_start3A_44 = arith.constant 0 : i32
        %dma_start3A_45 = tpu.memref_slice %arg6[%dma_start3A_43, %dma_start3A_44] : memref<10008x128xf32, #tpu.memory_space<vmem_shared>> -> memref<8x128xf32, #tpu.memory_space<vmem_shared>>
        %dma_start3A_46 = arith.constant 10000 : i32
        %dma_start3A_47 = arith.constant 0 : i32
        %dma_start3A_48 = tpu.memref_slice %arg6[%dma_start3A_46, %dma_start3A_47] : memref<10008x128xf32, #tpu.memory_space<vmem_shared>> -> memref<8x128xf32, #tpu.memory_space<vmem_shared>>
        %dma_start3A_49 = arith.constant 0 : i32
        %dma_start3A_50 = arith.constant 0 : i32
        %dma_start3A_51 = tpu.memref_slice %arg9[%run_scoped3A_38, %dma_start3A_49, %dma_start3A_50] : memref<2x128x128xf32, #tpu.memory_space<vmem>> -> memref<1x8x128xf32, #tpu.memory_space<vmem>>
        %dma_start3A_52 = tpu.memref_squeeze %dma_start3A_51 : memref<1x8x128xf32, #tpu.memory_space<vmem>> -> memref<8x128xf32, #tpu.memory_space<vmem>>
        tpu.enqueue_dma source(%dma_start3A_52 : memref<8x128xf32, #tpu.memory_space<vmem>>) target(%dma_start3A_48 : memref<8x128xf32, #tpu.memory_space<vmem_shared>>) target_semaphore(%run_scoped3A_39 : memref<!tpu.dma_semaphore, #tpu.memory_space<semaphore_mem>>)
        %dma_wait3A = arith.constant 0 : i32
        %dma_wait3A_53 = arith.constant 0 : i32
        %dma_wait3A_54 = tpu.memref_slice %arg9[%run_scoped3A_38, %dma_wait3A, %dma_wait3A_53] : memref<2x128x128xf32, #tpu.memory_space<vmem>> -> memref<1x8x128xf32, #tpu.memory_space<vmem>>
        %dma_wait3A_55 = tpu.memref_squeeze %dma_wait3A_54 : memref<1x8x128xf32, #tpu.memory_space<vmem>> -> memref<8x128xf32, #tpu.memory_space<vmem>>
        %dma_wait3A_56 = arith.constant 10000 : i32
        %dma_wait3A_57 = arith.constant 0 : i32
        %dma_wait3A_58 = tpu.memref_slice %arg6[%dma_wait3A_56, %dma_wait3A_57] : memref<10008x128xf32, #tpu.memory_space<vmem_shared>> -> memref<8x128xf32, #tpu.memory_space<vmem_shared>>
        %dma_wait3A_59 = arith.constant 10000 : i32
        %dma_wait3A_60 = arith.constant 0 : i32
        %dma_wait3A_61 = tpu.memref_slice %arg6[%dma_wait3A_59, %dma_wait3A_60] : memref<10008x128xf32, #tpu.memory_space<vmem_shared>> -> memref<8x128xf32, #tpu.memory_space<vmem_shared>>
        %dma_wait3A_62 = arith.constant 0 : i32
        %dma_wait3A_63 = arith.constant 0 : i32
        %dma_wait3A_64 = tpu.memref_slice %arg9[%run_scoped3A_38, %dma_wait3A_62, %dma_wait3A_63] : memref<2x128x128xf32, #tpu.memory_space<vmem>> -> memref<1x8x128xf32, #tpu.memory_space<vmem>>
        %dma_wait3A_65 = tpu.memref_squeeze %dma_wait3A_64 : memref<1x8x128xf32, #tpu.memory_space<vmem>> -> memref<8x128xf32, #tpu.memory_space<vmem>>
        tpu.wait_dma2 semaphore(%run_scoped3A_39 : memref<!tpu.dma_semaphore, #tpu.memory_space<semaphore_mem>>) src(%dma_wait3A_65 : memref<8x128xf32, #tpu.memory_space<vmem>>) dst(%dma_wait3A_61 : memref<8x128xf32, #tpu.memory_space<vmem_shared>>)
        tpu.yield
      }) : () -> ()
    } else {
    }
    %barrier3A = arith.constant 0 : index
    tpu.barrier barrier_id(%barrier3A)
    %eq3A_13 = arith.constant 0 : i32
    %eq3A_14 = arith.cmpi eq, %arg0, %eq3A_13 : i32
    %convert_element_type3A_15 = arith.extui %eq3A_14 : i1 to i32
    %cond3A_16 = arith.constant 0 : i32
    %cond3A_17 = arith.cmpi ne, %convert_element_type3A_15, %cond3A_16 : i32
    scf.if %cond3A_17 {
      %scan3A_34 = arith.constant 0 : i32
      %scan3A_35 = arith.constant 0 : i32
      %scan3A_36 = arith.constant 58 : i32
      %scan3A_37 = arith.addi %scan3A_35, %scan3A_36 : i32
      %scan3A_38 = arith.constant 1 : i32
      scf.for %scan3A_40 = %scan3A_35 to %scan3A_37 step %scan3A_38  : i32 {
        %mul3A_41 = arith.constant 2 : i32
        %mul3A_42 = arith.muli %scan3A_40, %mul3A_41 : i32
        "tpu.region"() ({
          %run_scoped3A_98 = tpu.sem_alloc : memref<!tpu.dma_semaphore, #tpu.memory_space<semaphore_mem>>
          %dma_start3A_99 = arith.constant 0 : i32
          %dma_start3A_100 = arith.constant 0 : i32
          %dma_start3A_101 = tpu.memref_slice %arg3[%arg1, %mul3A_42, %dma_start3A_99, %dma_start3A_100] : memref<16x116x2x128xi32, #tpu.memory_space<hbm>> -> memref<1x2x2x128xi32, #tpu.memory_space<hbm>>
          %dma_start3A_102 = tpu.memref_squeeze %dma_start3A_101 : memref<1x2x2x128xi32, #tpu.memory_space<hbm>> -> memref<2x2x128xi32, #tpu.memory_space<hbm>>
          %dma_start3A_103 = arith.constant 0 : i32
          %dma_start3A_104 = arith.constant 0 : i32
          %dma_start3A_105 = tpu.memref_slice %arg3[%arg1, %mul3A_42, %dma_start3A_103, %dma_start3A_104] : memref<16x116x2x128xi32, #tpu.memory_space<hbm>> -> memref<1x2x2x128xi32, #tpu.memory_space<hbm>>
          %dma_start3A_106 = tpu.memref_squeeze %dma_start3A_105 : memref<1x2x2x128xi32, #tpu.memory_space<hbm>> -> memref<2x2x128xi32, #tpu.memory_space<hbm>>
          tpu.enqueue_dma source(%dma_start3A_106 : memref<2x2x128xi32, #tpu.memory_space<hbm>>) target(%arg7 : memref<2x2x128xi32, #tpu.memory_space<vmem>>) target_semaphore(%run_scoped3A_98 : memref<!tpu.dma_semaphore, #tpu.memory_space<semaphore_mem>>)
          %dma_wait3A_107 = arith.constant 0 : i32
          %dma_wait3A_108 = arith.constant 0 : i32
          %dma_wait3A_109 = tpu.memref_slice %arg3[%arg1, %mul3A_42, %dma_wait3A_107, %dma_wait3A_108] : memref<16x116x2x128xi32, #tpu.memory_space<hbm>> -> memref<1x2x2x128xi32, #tpu.memory_space<hbm>>
          %dma_wait3A_110 = tpu.memref_squeeze %dma_wait3A_109 : memref<1x2x2x128xi32, #tpu.memory_space<hbm>> -> memref<2x2x128xi32, #tpu.memory_space<hbm>>
          %dma_wait3A_111 = arith.constant 0 : i32
          %dma_wait3A_112 = arith.constant 0 : i32
          %dma_wait3A_113 = tpu.memref_slice %arg3[%arg1, %mul3A_42, %dma_wait3A_111, %dma_wait3A_112] : memref<16x116x2x128xi32, #tpu.memory_space<hbm>> -> memref<1x2x2x128xi32, #tpu.memory_space<hbm>>
          %dma_wait3A_114 = tpu.memref_squeeze %dma_wait3A_113 : memref<1x2x2x128xi32, #tpu.memory_space<hbm>> -> memref<2x2x128xi32, #tpu.memory_space<hbm>>
          tpu.wait_dma2 semaphore(%run_scoped3A_98 : memref<!tpu.dma_semaphore, #tpu.memory_space<semaphore_mem>>) src(%dma_wait3A_114 : memref<2x2x128xi32, #tpu.memory_space<hbm>>) dst(%arg7 : memref<2x2x128xi32, #tpu.memory_space<vmem>>)
          tpu.yield
        }) : () -> ()
        %dma_start3A = arith.constant 0 : i32
        %dma_start3A_43 = arith.constant 0 : i32
        %dma_start3A_44 = arith.constant 0 : i32
        %dma_start3A_45 = arith.constant 0 : i32
        %dma_start3A_46 = arith.constant 0 : i32
        %dma_start3A_47 = tpu.memref_slice %arg9[%dma_start3A_44, %dma_start3A_45, %dma_start3A_46] : memref<2x128x128xf32, #tpu.memory_space<vmem>> -> memref<1x128x128xf32, #tpu.memory_space<vmem>>
        %dma_start3A_48 = tpu.memref_squeeze %dma_start3A_47 : memref<1x128x128xf32, #tpu.memory_space<vmem>> -> memref<128x128xf32, #tpu.memory_space<vmem>>
        %dma_start3A_49 = arith.constant 0 : i32
        %dma_start3A_50 = tpu.memref_slice %arg7[%dma_start3A, %dma_start3A_43, %dma_start3A_49] : memref<2x2x128xi32, #tpu.memory_space<vmem>> -> memref<1x1x128xi32, #tpu.memory_space<vmem>>
        %dma_start3A_51 = tpu.memref_squeeze %dma_start3A_50 : memref<1x1x128xi32, #tpu.memory_space<vmem>> -> memref<128xi32, #tpu.memory_space<vmem>>
        %dma_start3A_52 = arith.constant 0 : i32
        %dma_start3A_53 = arith.constant 0 : i32
        %dma_start3A_54 = tpu.memref_slice %arg2[%dma_start3A_52, %dma_start3A_53] : memref<10000x128xf32, #tpu.memory_space<hbm>> -> memref<10000x128xf32, #tpu.memory_space<hbm>>
        tpu.enqueue_indirect_dma source(%dma_start3A_54 : memref<10000x128xf32, #tpu.memory_space<hbm>>) target(%dma_start3A_48 : memref<128x128xf32, #tpu.memory_space<vmem>>) offsets(%dma_start3A_51 : memref<128xi32, #tpu.memory_space<vmem>>) semaphore(%arg10 : memref<!tpu.dma_semaphore, #tpu.memory_space<semaphore_mem>>)
        %dma_start3A_55 = arith.constant 1 : i32
        %dma_start3A_56 = arith.constant 0 : i32
        %dma_start3A_57 = arith.constant 1 : i32
        %dma_start3A_58 = arith.constant 0 : i32
        %dma_start3A_59 = arith.constant 0 : i32
        %dma_start3A_60 = tpu.memref_slice %arg9[%dma_start3A_57, %dma_start3A_58, %dma_start3A_59] : memref<2x128x128xf32, #tpu.memory_space<vmem>> -> memref<1x128x128xf32, #tpu.memory_space<vmem>>
        %dma_start3A_61 = tpu.memref_squeeze %dma_start3A_60 : memref<1x128x128xf32, #tpu.memory_space<vmem>> -> memref<128x128xf32, #tpu.memory_space<vmem>>
        %dma_start3A_62 = arith.constant 0 : i32
        %dma_start3A_63 = tpu.memref_slice %arg7[%dma_start3A_55, %dma_start3A_56, %dma_start3A_62] : memref<2x2x128xi32, #tpu.memory_space<vmem>> -> memref<1x1x128xi32, #tpu.memory_space<vmem>>
        %dma_start3A_64 = tpu.memref_squeeze %dma_start3A_63 : memref<1x1x128xi32, #tpu.memory_space<vmem>> -> memref<128xi32, #tpu.memory_space<vmem>>
        %dma_start3A_65 = arith.constant 0 : i32
        %dma_start3A_66 = arith.constant 0 : i32
        %dma_start3A_67 = tpu.memref_slice %arg2[%dma_start3A_65, %dma_start3A_66] : memref<10000x128xf32, #tpu.memory_space<hbm>> -> memref<10000x128xf32, #tpu.memory_space<hbm>>
        tpu.enqueue_indirect_dma source(%dma_start3A_67 : memref<10000x128xf32, #tpu.memory_space<hbm>>) target(%dma_start3A_61 : memref<128x128xf32, #tpu.memory_space<vmem>>) offsets(%dma_start3A_64 : memref<128xi32, #tpu.memory_space<vmem>>) semaphore(%arg11 : memref<!tpu.dma_semaphore, #tpu.memory_space<semaphore_mem>>)
        %dma_wait3A = arith.constant 0 : i32
        %dma_wait3A_68 = arith.constant 0 : i32
        %dma_wait3A_69 = arith.constant 0 : i32
        %dma_wait3A_70 = arith.constant 0 : i32
        %dma_wait3A_71 = arith.constant 0 : i32
        %dma_wait3A_72 = tpu.memref_slice %arg9[%dma_wait3A_69, %dma_wait3A_70, %dma_wait3A_71] : memref<2x128x128xf32, #tpu.memory_space<vmem>> -> memref<1x128x128xf32, #tpu.memory_space<vmem>>
        %dma_wait3A_73 = tpu.memref_squeeze %dma_wait3A_72 : memref<1x128x128xf32, #tpu.memory_space<vmem>> -> memref<128x128xf32, #tpu.memory_space<vmem>>
        %dma_wait3A_74 = arith.constant 0 : i32
        %dma_wait3A_75 = tpu.memref_slice %arg7[%dma_wait3A, %dma_wait3A_68, %dma_wait3A_74] : memref<2x2x128xi32, #tpu.memory_space<vmem>> -> memref<1x1x128xi32, #tpu.memory_space<vmem>>
        %dma_wait3A_76 = tpu.memref_squeeze %dma_wait3A_75 : memref<1x1x128xi32, #tpu.memory_space<vmem>> -> memref<128xi32, #tpu.memory_space<vmem>>
        %dma_wait3A_77 = arith.constant 0 : i32
        %dma_wait3A_78 = arith.constant 0 : i32
        %dma_wait3A_79 = tpu.memref_slice %arg2[%dma_wait3A_77, %dma_wait3A_78] : memref<10000x128xf32, #tpu.memory_space<hbm>> -> memref<10000x128xf32, #tpu.memory_space<hbm>>
        tpu.wait_indirect_dma semaphore(%arg10 : memref<!tpu.dma_semaphore, #tpu.memory_space<semaphore_mem>>) src(%dma_wait3A_79 : memref<10000x128xf32, #tpu.memory_space<hbm>>) dst(%dma_wait3A_73 : memref<128x128xf32, #tpu.memory_space<vmem>>)
        %run_scoped3A = arith.constant 0 : i32
        %run_scoped3A_80 = arith.constant 0 : i32
        %run_scoped3A_81 = arith.constant 1 : i32
        "tpu.region"() ({
          %run_scoped3A_98 = tpu.sem_alloc : memref<!tpu.dma_semaphore, #tpu.memory_space<semaphore_mem>>
          %dma_start3A_99 = arith.constant 0 : i32
          %dma_start3A_100 = arith.constant 0 : i32
          %dma_start3A_101 = tpu.memref_slice %arg9[%run_scoped3A, %dma_start3A_99, %dma_start3A_100] : memref<2x128x128xf32, #tpu.memory_space<vmem>> -> memref<1x128x128xf32, #tpu.memory_space<vmem>>
          %dma_start3A_102 = tpu.memref_squeeze %dma_start3A_101 : memref<1x128x128xf32, #tpu.memory_space<vmem>> -> memref<128x128xf32, #tpu.memory_space<vmem>>
          %dma_start3A_103 = arith.constant 0 : i32
          %dma_start3A_104 = tpu.memref_slice %arg7[%run_scoped3A_80, %run_scoped3A_81, %dma_start3A_103] : memref<2x2x128xi32, #tpu.memory_space<vmem>> -> memref<1x1x128xi32, #tpu.memory_space<vmem>>
          %dma_start3A_105 = tpu.memref_squeeze %dma_start3A_104 : memref<1x1x128xi32, #tpu.memory_space<vmem>> -> memref<128xi32, #tpu.memory_space<vmem>>
          %dma_start3A_106 = arith.constant 0 : i32
          %dma_start3A_107 = arith.constant 0 : i32
          %dma_start3A_108 = tpu.memref_slice %arg6[%dma_start3A_106, %dma_start3A_107] : memref<10008x128xf32, #tpu.memory_space<vmem_shared>> -> memref<10008x128xf32, #tpu.memory_space<vmem_shared>>
          tpu.enqueue_indirect_dma source(%dma_start3A_102 : memref<128x128xf32, #tpu.memory_space<vmem>>) target(%dma_start3A_108 : memref<10008x128xf32, #tpu.memory_space<vmem_shared>>) offsets(%dma_start3A_105 : memref<128xi32, #tpu.memory_space<vmem>>) semaphore(%run_scoped3A_98 : memref<!tpu.dma_semaphore, #tpu.memory_space<semaphore_mem>>) {add = true}
          %dma_wait3A_109 = arith.constant 0 : i32
          %dma_wait3A_110 = arith.constant 0 : i32
          %dma_wait3A_111 = tpu.memref_slice %arg9[%run_scoped3A, %dma_wait3A_109, %dma_wait3A_110] : memref<2x128x128xf32, #tpu.memory_space<vmem>> -> memref<1x128x128xf32, #tpu.memory_space<vmem>>
          %dma_wait3A_112 = tpu.memref_squeeze %dma_wait3A_111 : memref<1x128x128xf32, #tpu.memory_space<vmem>> -> memref<128x128xf32, #tpu.memory_space<vmem>>
          %dma_wait3A_113 = arith.constant 0 : i32
          %dma_wait3A_114 = tpu.memref_slice %arg7[%run_scoped3A_80, %run_scoped3A_81, %dma_wait3A_113] : memref<2x2x128xi32, #tpu.memory_space<vmem>> -> memref<1x1x128xi32, #tpu.memory_space<vmem>>
          %dma_wait3A_115 = tpu.memref_squeeze %dma_wait3A_114 : memref<1x1x128xi32, #tpu.memory_space<vmem>> -> memref<128xi32, #tpu.memory_space<vmem>>
          %dma_wait3A_116 = arith.constant 0 : i32
          %dma_wait3A_117 = arith.constant 0 : i32
          %dma_wait3A_118 = tpu.memref_slice %arg6[%dma_wait3A_116, %dma_wait3A_117] : memref<10008x128xf32, #tpu.memory_space<vmem_shared>> -> memref<10008x128xf32, #tpu.memory_space<vmem_shared>>
          tpu.wait_indirect_dma semaphore(%run_scoped3A_98 : memref<!tpu.dma_semaphore, #tpu.memory_space<semaphore_mem>>) src(%dma_wait3A_112 : memref<128x128xf32, #tpu.memory_space<vmem>>) dst(%dma_wait3A_118 : memref<10008x128xf32, #tpu.memory_space<vmem_shared>>)
          tpu.yield
        }) : () -> ()
        %dma_wait3A_82 = arith.constant 1 : i32
        %dma_wait3A_83 = arith.constant 0 : i32
        %dma_wait3A_84 = arith.constant 1 : i32
        %dma_wait3A_85 = arith.constant 0 : i32
        %dma_wait3A_86 = arith.constant 0 : i32
        %dma_wait3A_87 = tpu.memref_slice %arg9[%dma_wait3A_84, %dma_wait3A_85, %dma_wait3A_86] : memref<2x128x128xf32, #tpu.memory_space<vmem>> -> memref<1x128x128xf32, #tpu.memory_space<vmem>>
        %dma_wait3A_88 = tpu.memref_squeeze %dma_wait3A_87 : memref<1x128x128xf32, #tpu.memory_space<vmem>> -> memref<128x128xf32, #tpu.memory_space<vmem>>
        %dma_wait3A_89 = arith.constant 0 : i32
        %dma_wait3A_90 = tpu.memref_slice %arg7[%dma_wait3A_82, %dma_wait3A_83, %dma_wait3A_89] : memref<2x2x128xi32, #tpu.memory_space<vmem>> -> memref<1x1x128xi32, #tpu.memory_space<vmem>>
        %dma_wait3A_91 = tpu.memref_squeeze %dma_wait3A_90 : memref<1x1x128xi32, #tpu.memory_space<vmem>> -> memref<128xi32, #tpu.memory_space<vmem>>
        %dma_wait3A_92 = arith.constant 0 : i32
        %dma_wait3A_93 = arith.constant 0 : i32
        %dma_wait3A_94 = tpu.memref_slice %arg2[%dma_wait3A_92, %dma_wait3A_93] : memref<10000x128xf32, #tpu.memory_space<hbm>> -> memref<10000x128xf32, #tpu.memory_space<hbm>>
        tpu.wait_indirect_dma semaphore(%arg11 : memref<!tpu.dma_semaphore, #tpu.memory_space<semaphore_mem>>) src(%dma_wait3A_94 : memref<10000x128xf32, #tpu.memory_space<hbm>>) dst(%dma_wait3A_88 : memref<128x128xf32, #tpu.memory_space<vmem>>)
        %run_scoped3A_95 = arith.constant 1 : i32
        %run_scoped3A_96 = arith.constant 1 : i32
        %run_scoped3A_97 = arith.constant 1 : i32
        "tpu.region"() ({
          %run_scoped3A_98 = tpu.sem_alloc : memref<!tpu.dma_semaphore, #tpu.memory_space<semaphore_mem>>
          %dma_start3A_99 = arith.constant 0 : i32
          %dma_start3A_100 = arith.constant 0 : i32
          %dma_start3A_101 = tpu.memref_slice %arg9[%run_scoped3A_95, %dma_start3A_99, %dma_start3A_100] : memref<2x128x128xf32, #tpu.memory_space<vmem>> -> memref<1x128x128xf32, #tpu.memory_space<vmem>>
          %dma_start3A_102 = tpu.memref_squeeze %dma_start3A_101 : memref<1x128x128xf32, #tpu.memory_space<vmem>> -> memref<128x128xf32, #tpu.memory_space<vmem>>
          %dma_start3A_103 = arith.constant 0 : i32
          %dma_start3A_104 = tpu.memref_slice %arg7[%run_scoped3A_96, %run_scoped3A_97, %dma_start3A_103] : memref<2x2x128xi32, #tpu.memory_space<vmem>> -> memref<1x1x128xi32, #tpu.memory_space<vmem>>
          %dma_start3A_105 = tpu.memref_squeeze %dma_start3A_104 : memref<1x1x128xi32, #tpu.memory_space<vmem>> -> memref<128xi32, #tpu.memory_space<vmem>>
          %dma_start3A_106 = arith.constant 0 : i32
          %dma_start3A_107 = arith.constant 0 : i32
          %dma_start3A_108 = tpu.memref_slice %arg6[%dma_start3A_106, %dma_start3A_107] : memref<10008x128xf32, #tpu.memory_space<vmem_shared>> -> memref<10008x128xf32, #tpu.memory_space<vmem_shared>>
          tpu.enqueue_indirect_dma source(%dma_start3A_102 : memref<128x128xf32, #tpu.memory_space<vmem>>) target(%dma_start3A_108 : memref<10008x128xf32, #tpu.memory_space<vmem_shared>>) offsets(%dma_start3A_105 : memref<128xi32, #tpu.memory_space<vmem>>) semaphore(%run_scoped3A_98 : memref<!tpu.dma_semaphore, #tpu.memory_space<semaphore_mem>>) {add = true}
          %dma_wait3A_109 = arith.constant 0 : i32
          %dma_wait3A_110 = arith.constant 0 : i32
          %dma_wait3A_111 = tpu.memref_slice %arg9[%run_scoped3A_95, %dma_wait3A_109, %dma_wait3A_110] : memref<2x128x128xf32, #tpu.memory_space<vmem>> -> memref<1x128x128xf32, #tpu.memory_space<vmem>>
          %dma_wait3A_112 = tpu.memref_squeeze %dma_wait3A_111 : memref<1x128x128xf32, #tpu.memory_space<vmem>> -> memref<128x128xf32, #tpu.memory_space<vmem>>
          %dma_wait3A_113 = arith.constant 0 : i32
          %dma_wait3A_114 = tpu.memref_slice %arg7[%run_scoped3A_96, %run_scoped3A_97, %dma_wait3A_113] : memref<2x2x128xi32, #tpu.memory_space<vmem>> -> memref<1x1x128xi32, #tpu.memory_space<vmem>>
          %dma_wait3A_115 = tpu.memref_squeeze %dma_wait3A_114 : memref<1x1x128xi32, #tpu.memory_space<vmem>> -> memref<128xi32, #tpu.memory_space<vmem>>
          %dma_wait3A_116 = arith.constant 0 : i32
          %dma_wait3A_117 = arith.constant 0 : i32
          %dma_wait3A_118 = tpu.memref_slice %arg6[%dma_wait3A_116, %dma_wait3A_117] : memref<10008x128xf32, #tpu.memory_space<vmem_shared>> -> memref<10008x128xf32, #tpu.memory_space<vmem_shared>>
          tpu.wait_indirect_dma semaphore(%run_scoped3A_98 : memref<!tpu.dma_semaphore, #tpu.memory_space<semaphore_mem>>) src(%dma_wait3A_112 : memref<128x128xf32, #tpu.memory_space<vmem>>) dst(%dma_wait3A_118 : memref<10008x128xf32, #tpu.memory_space<vmem_shared>>)
          tpu.yield
        }) : () -> ()
      }
      %scan3A_39 = arith.constant 58 : i32
    } else {
    }
    %eq3A_18 = arith.constant 1 : i32
    %eq3A_19 = arith.cmpi eq, %arg0, %eq3A_18 : i32
    %convert_element_type3A_20 = arith.extui %eq3A_19 : i1 to i32
    %cond3A_21 = arith.constant 0 : i32
    %cond3A_22 = arith.cmpi ne, %convert_element_type3A_20, %cond3A_21 : i32
    scf.if %cond3A_22 {
      "tpu.region"() ({
        %run_scoped3A = tpu.sem_alloc : memref<!tpu.dma_semaphore, #tpu.memory_space<semaphore_mem>>
        %dma_start3A = arith.constant 0 : i32
        %dma_start3A_40 = arith.constant 0 : i32
        %dma_start3A_41 = arith.constant 0 : i32
        %dma_start3A_42 = tpu.memref_slice %arg4[%arg1, %dma_start3A, %dma_start3A_40, %dma_start3A_41] : memref<16x42x2x128xi32, #tpu.memory_space<hbm>> -> memref<1x42x2x128xi32, #tpu.memory_space<hbm>>
        %dma_start3A_43 = tpu.memref_squeeze %dma_start3A_42 : memref<1x42x2x128xi32, #tpu.memory_space<hbm>> -> memref<42x2x128xi32, #tpu.memory_space<hbm>>
        %dma_start3A_44 = arith.constant 0 : i32
        %dma_start3A_45 = arith.constant 0 : i32
        %dma_start3A_46 = arith.constant 0 : i32
        %dma_start3A_47 = tpu.memref_slice %arg4[%arg1, %dma_start3A_44, %dma_start3A_45, %dma_start3A_46] : memref<16x42x2x128xi32, #tpu.memory_space<hbm>> -> memref<1x42x2x128xi32, #tpu.memory_space<hbm>>
        %dma_start3A_48 = tpu.memref_squeeze %dma_start3A_47 : memref<1x42x2x128xi32, #tpu.memory_space<hbm>> -> memref<42x2x128xi32, #tpu.memory_space<hbm>>
        tpu.enqueue_dma source(%dma_start3A_48 : memref<42x2x128xi32, #tpu.memory_space<hbm>>) target(%arg8 : memref<42x2x128xi32, #tpu.memory_space<vmem>>) target_semaphore(%run_scoped3A : memref<!tpu.dma_semaphore, #tpu.memory_space<semaphore_mem>>)
        %dma_wait3A = arith.constant 0 : i32
        %dma_wait3A_49 = arith.constant 0 : i32
        %dma_wait3A_50 = arith.constant 0 : i32
        %dma_wait3A_51 = tpu.memref_slice %arg4[%arg1, %dma_wait3A, %dma_wait3A_49, %dma_wait3A_50] : memref<16x42x2x128xi32, #tpu.memory_space<hbm>> -> memref<1x42x2x128xi32, #tpu.memory_space<hbm>>
        %dma_wait3A_52 = tpu.memref_squeeze %dma_wait3A_51 : memref<1x42x2x128xi32, #tpu.memory_space<hbm>> -> memref<42x2x128xi32, #tpu.memory_space<hbm>>
        %dma_wait3A_53 = arith.constant 0 : i32
        %dma_wait3A_54 = arith.constant 0 : i32
        %dma_wait3A_55 = arith.constant 0 : i32
        %dma_wait3A_56 = tpu.memref_slice %arg4[%arg1, %dma_wait3A_53, %dma_wait3A_54, %dma_wait3A_55] : memref<16x42x2x128xi32, #tpu.memory_space<hbm>> -> memref<1x42x2x128xi32, #tpu.memory_space<hbm>>
        %dma_wait3A_57 = tpu.memref_squeeze %dma_wait3A_56 : memref<1x42x2x128xi32, #tpu.memory_space<hbm>> -> memref<42x2x128xi32, #tpu.memory_space<hbm>>
        tpu.wait_dma2 semaphore(%run_scoped3A : memref<!tpu.dma_semaphore, #tpu.memory_space<semaphore_mem>>) src(%dma_wait3A_57 : memref<42x2x128xi32, #tpu.memory_space<hbm>>) dst(%arg8 : memref<42x2x128xi32, #tpu.memory_space<vmem>>)
        tpu.yield
      }) : () -> ()
      %scan3A_34 = arith.constant 0 : i32
      %scan3A_35 = arith.constant 0 : i32
      %scan3A_36 = arith.constant 21 : i32
      %scan3A_37 = arith.addi %scan3A_35, %scan3A_36 : i32
      %scan3A_38 = arith.constant 1 : i32
      scf.for %scan3A_40 = %scan3A_35 to %scan3A_37 step %scan3A_38  : i32 {
        %mul3A_41 = arith.constant 2 : i32
        %mul3A_42 = arith.muli %scan3A_40, %mul3A_41 : i32
        %add3A = arith.constant 0 : i32
        %add3A_43 = arith.addi %mul3A_42, %add3A : i32
        %dma_start3A = arith.constant 0 : i32
        %dma_start3A_44 = arith.constant 0 : i32
        %dma_start3A_45 = arith.constant 0 : i32
        %dma_start3A_46 = arith.constant 0 : i32
        %dma_start3A_47 = tpu.memref_slice %arg9[%dma_start3A_44, %dma_start3A_45, %dma_start3A_46] : memref<2x128x128xf32, #tpu.memory_space<vmem>> -> memref<1x128x128xf32, #tpu.memory_space<vmem>>
        %dma_start3A_48 = tpu.memref_squeeze %dma_start3A_47 : memref<1x128x128xf32, #tpu.memory_space<vmem>> -> memref<128x128xf32, #tpu.memory_space<vmem>>
        %dma_start3A_49 = arith.constant 0 : i32
        %dma_start3A_50 = tpu.memref_slice %arg8[%add3A_43, %dma_start3A, %dma_start3A_49] : memref<42x2x128xi32, #tpu.memory_space<vmem>> -> memref<1x1x128xi32, #tpu.memory_space<vmem>>
        %dma_start3A_51 = tpu.memref_squeeze %dma_start3A_50 : memref<1x1x128xi32, #tpu.memory_space<vmem>> -> memref<128xi32, #tpu.memory_space<vmem>>
        %dma_start3A_52 = arith.constant 0 : i32
        %dma_start3A_53 = arith.constant 0 : i32
        %dma_start3A_54 = tpu.memref_slice %arg2[%dma_start3A_52, %dma_start3A_53] : memref<10000x128xf32, #tpu.memory_space<hbm>> -> memref<10000x128xf32, #tpu.memory_space<hbm>>
        tpu.enqueue_indirect_dma source(%dma_start3A_54 : memref<10000x128xf32, #tpu.memory_space<hbm>>) target(%dma_start3A_48 : memref<128x128xf32, #tpu.memory_space<vmem>>) offsets(%dma_start3A_51 : memref<128xi32, #tpu.memory_space<vmem>>) semaphore(%arg10 : memref<!tpu.dma_semaphore, #tpu.memory_space<semaphore_mem>>)
        %add3A_55 = arith.constant 1 : i32
        %add3A_56 = arith.addi %mul3A_42, %add3A_55 : i32
        %dma_start3A_57 = arith.constant 0 : i32
        %dma_start3A_58 = arith.constant 1 : i32
        %dma_start3A_59 = arith.constant 0 : i32
        %dma_start3A_60 = arith.constant 0 : i32
        %dma_start3A_61 = tpu.memref_slice %arg9[%dma_start3A_58, %dma_start3A_59, %dma_start3A_60] : memref<2x128x128xf32, #tpu.memory_space<vmem>> -> memref<1x128x128xf32, #tpu.memory_space<vmem>>
        %dma_start3A_62 = tpu.memref_squeeze %dma_start3A_61 : memref<1x128x128xf32, #tpu.memory_space<vmem>> -> memref<128x128xf32, #tpu.memory_space<vmem>>
        %dma_start3A_63 = arith.constant 0 : i32
        %dma_start3A_64 = tpu.memref_slice %arg8[%add3A_56, %dma_start3A_57, %dma_start3A_63] : memref<42x2x128xi32, #tpu.memory_space<vmem>> -> memref<1x1x128xi32, #tpu.memory_space<vmem>>
        %dma_start3A_65 = tpu.memref_squeeze %dma_start3A_64 : memref<1x1x128xi32, #tpu.memory_space<vmem>> -> memref<128xi32, #tpu.memory_space<vmem>>
        %dma_start3A_66 = arith.constant 0 : i32
        %dma_start3A_67 = arith.constant 0 : i32
        %dma_start3A_68 = tpu.memref_slice %arg2[%dma_start3A_66, %dma_start3A_67] : memref<10000x128xf32, #tpu.memory_space<hbm>> -> memref<10000x128xf32, #tpu.memory_space<hbm>>
        tpu.enqueue_indirect_dma source(%dma_start3A_68 : memref<10000x128xf32, #tpu.memory_space<hbm>>) target(%dma_start3A_62 : memref<128x128xf32, #tpu.memory_space<vmem>>) offsets(%dma_start3A_65 : memref<128xi32, #tpu.memory_space<vmem>>) semaphore(%arg11 : memref<!tpu.dma_semaphore, #tpu.memory_space<semaphore_mem>>)
        %add3A_69 = arith.constant 0 : i32
        %add3A_70 = arith.addi %mul3A_42, %add3A_69 : i32
        %dma_wait3A = arith.constant 0 : i32
        %dma_wait3A_71 = arith.constant 0 : i32
        %dma_wait3A_72 = arith.constant 0 : i32
        %dma_wait3A_73 = arith.constant 0 : i32
        %dma_wait3A_74 = tpu.memref_slice %arg9[%dma_wait3A_71, %dma_wait3A_72, %dma_wait3A_73] : memref<2x128x128xf32, #tpu.memory_space<vmem>> -> memref<1x128x128xf32, #tpu.memory_space<vmem>>
        %dma_wait3A_75 = tpu.memref_squeeze %dma_wait3A_74 : memref<1x128x128xf32, #tpu.memory_space<vmem>> -> memref<128x128xf32, #tpu.memory_space<vmem>>
        %dma_wait3A_76 = arith.constant 0 : i32
        %dma_wait3A_77 = tpu.memref_slice %arg8[%add3A_43, %dma_wait3A, %dma_wait3A_76] : memref<42x2x128xi32, #tpu.memory_space<vmem>> -> memref<1x1x128xi32, #tpu.memory_space<vmem>>
        %dma_wait3A_78 = tpu.memref_squeeze %dma_wait3A_77 : memref<1x1x128xi32, #tpu.memory_space<vmem>> -> memref<128xi32, #tpu.memory_space<vmem>>
        %dma_wait3A_79 = arith.constant 0 : i32
        %dma_wait3A_80 = arith.constant 0 : i32
        %dma_wait3A_81 = tpu.memref_slice %arg2[%dma_wait3A_79, %dma_wait3A_80] : memref<10000x128xf32, #tpu.memory_space<hbm>> -> memref<10000x128xf32, #tpu.memory_space<hbm>>
        tpu.wait_indirect_dma semaphore(%arg10 : memref<!tpu.dma_semaphore, #tpu.memory_space<semaphore_mem>>) src(%dma_wait3A_81 : memref<10000x128xf32, #tpu.memory_space<hbm>>) dst(%dma_wait3A_75 : memref<128x128xf32, #tpu.memory_space<vmem>>)
        %run_scoped3A = arith.constant 0 : i32
        %run_scoped3A_82 = arith.constant 1 : i32
        "tpu.region"() ({
          %run_scoped3A_99 = tpu.sem_alloc : memref<!tpu.dma_semaphore, #tpu.memory_space<semaphore_mem>>
          %dma_start3A_100 = arith.constant 0 : i32
          %dma_start3A_101 = arith.constant 0 : i32
          %dma_start3A_102 = tpu.memref_slice %arg9[%run_scoped3A, %dma_start3A_100, %dma_start3A_101] : memref<2x128x128xf32, #tpu.memory_space<vmem>> -> memref<1x128x128xf32, #tpu.memory_space<vmem>>
          %dma_start3A_103 = tpu.memref_squeeze %dma_start3A_102 : memref<1x128x128xf32, #tpu.memory_space<vmem>> -> memref<128x128xf32, #tpu.memory_space<vmem>>
          %dma_start3A_104 = arith.constant 0 : i32
          %dma_start3A_105 = tpu.memref_slice %arg8[%add3A_70, %run_scoped3A_82, %dma_start3A_104] : memref<42x2x128xi32, #tpu.memory_space<vmem>> -> memref<1x1x128xi32, #tpu.memory_space<vmem>>
          %dma_start3A_106 = tpu.memref_squeeze %dma_start3A_105 : memref<1x1x128xi32, #tpu.memory_space<vmem>> -> memref<128xi32, #tpu.memory_space<vmem>>
          %dma_start3A_107 = arith.constant 0 : i32
          %dma_start3A_108 = arith.constant 0 : i32
          %dma_start3A_109 = tpu.memref_slice %arg6[%dma_start3A_107, %dma_start3A_108] : memref<10008x128xf32, #tpu.memory_space<vmem_shared>> -> memref<10008x128xf32, #tpu.memory_space<vmem_shared>>
          tpu.enqueue_indirect_dma source(%dma_start3A_103 : memref<128x128xf32, #tpu.memory_space<vmem>>) target(%dma_start3A_109 : memref<10008x128xf32, #tpu.memory_space<vmem_shared>>) offsets(%dma_start3A_106 : memref<128xi32, #tpu.memory_space<vmem>>) semaphore(%run_scoped3A_99 : memref<!tpu.dma_semaphore, #tpu.memory_space<semaphore_mem>>) {add = true}
          %dma_wait3A_110 = arith.constant 0 : i32
          %dma_wait3A_111 = arith.constant 0 : i32
          %dma_wait3A_112 = tpu.memref_slice %arg9[%run_scoped3A, %dma_wait3A_110, %dma_wait3A_111] : memref<2x128x128xf32, #tpu.memory_space<vmem>> -> memref<1x128x128xf32, #tpu.memory_space<vmem>>
          %dma_wait3A_113 = tpu.memref_squeeze %dma_wait3A_112 : memref<1x128x128xf32, #tpu.memory_space<vmem>> -> memref<128x128xf32, #tpu.memory_space<vmem>>
          %dma_wait3A_114 = arith.constant 0 : i32
          %dma_wait3A_115 = tpu.memref_slice %arg8[%add3A_70, %run_scoped3A_82, %dma_wait3A_114] : memref<42x2x128xi32, #tpu.memory_space<vmem>> -> memref<1x1x128xi32, #tpu.memory_space<vmem>>
          %dma_wait3A_116 = tpu.memref_squeeze %dma_wait3A_115 : memref<1x1x128xi32, #tpu.memory_space<vmem>> -> memref<128xi32, #tpu.memory_space<vmem>>
          %dma_wait3A_117 = arith.constant 0 : i32
          %dma_wait3A_118 = arith.constant 0 : i32
          %dma_wait3A_119 = tpu.memref_slice %arg6[%dma_wait3A_117, %dma_wait3A_118] : memref<10008x128xf32, #tpu.memory_space<vmem_shared>> -> memref<10008x128xf32, #tpu.memory_space<vmem_shared>>
          tpu.wait_indirect_dma semaphore(%run_scoped3A_99 : memref<!tpu.dma_semaphore, #tpu.memory_space<semaphore_mem>>) src(%dma_wait3A_113 : memref<128x128xf32, #tpu.memory_space<vmem>>) dst(%dma_wait3A_119 : memref<10008x128xf32, #tpu.memory_space<vmem_shared>>)
          tpu.yield
        }) : () -> ()
        %add3A_83 = arith.constant 1 : i32
        %add3A_84 = arith.addi %mul3A_42, %add3A_83 : i32
        %dma_wait3A_85 = arith.constant 0 : i32
        %dma_wait3A_86 = arith.constant 1 : i32
        %dma_wait3A_87 = arith.constant 0 : i32
        %dma_wait3A_88 = arith.constant 0 : i32
        %dma_wait3A_89 = tpu.memref_slice %arg9[%dma_wait3A_86, %dma_wait3A_87, %dma_wait3A_88] : memref<2x128x128xf32, #tpu.memory_space<vmem>> -> memref<1x128x128xf32, #tpu.memory_space<vmem>>
        %dma_wait3A_90 = tpu.memref_squeeze %dma_wait3A_89 : memref<1x128x128xf32, #tpu.memory_space<vmem>> -> memref<128x128xf32, #tpu.memory_space<vmem>>
        %dma_wait3A_91 = arith.constant 0 : i32
        %dma_wait3A_92 = tpu.memref_slice %arg8[%add3A_56, %dma_wait3A_85, %dma_wait3A_91] : memref<42x2x128xi32, #tpu.memory_space<vmem>> -> memref<1x1x128xi32, #tpu.memory_space<vmem>>
        %dma_wait3A_93 = tpu.memref_squeeze %dma_wait3A_92 : memref<1x1x128xi32, #tpu.memory_space<vmem>> -> memref<128xi32, #tpu.memory_space<vmem>>
        %dma_wait3A_94 = arith.constant 0 : i32
        %dma_wait3A_95 = arith.constant 0 : i32
        %dma_wait3A_96 = tpu.memref_slice %arg2[%dma_wait3A_94, %dma_wait3A_95] : memref<10000x128xf32, #tpu.memory_space<hbm>> -> memref<10000x128xf32, #tpu.memory_space<hbm>>
        tpu.wait_indirect_dma semaphore(%arg11 : memref<!tpu.dma_semaphore, #tpu.memory_space<semaphore_mem>>) src(%dma_wait3A_96 : memref<10000x128xf32, #tpu.memory_space<hbm>>) dst(%dma_wait3A_90 : memref<128x128xf32, #tpu.memory_space<vmem>>)
        %run_scoped3A_97 = arith.constant 1 : i32
        %run_scoped3A_98 = arith.constant 1 : i32
        "tpu.region"() ({
          %run_scoped3A_99 = tpu.sem_alloc : memref<!tpu.dma_semaphore, #tpu.memory_space<semaphore_mem>>
          %dma_start3A_100 = arith.constant 0 : i32
          %dma_start3A_101 = arith.constant 0 : i32
          %dma_start3A_102 = tpu.memref_slice %arg9[%run_scoped3A_97, %dma_start3A_100, %dma_start3A_101] : memref<2x128x128xf32, #tpu.memory_space<vmem>> -> memref<1x128x128xf32, #tpu.memory_space<vmem>>
          %dma_start3A_103 = tpu.memref_squeeze %dma_start3A_102 : memref<1x128x128xf32, #tpu.memory_space<vmem>> -> memref<128x128xf32, #tpu.memory_space<vmem>>
          %dma_start3A_104 = arith.constant 0 : i32
          %dma_start3A_105 = tpu.memref_slice %arg8[%add3A_84, %run_scoped3A_98, %dma_start3A_104] : memref<42x2x128xi32, #tpu.memory_space<vmem>> -> memref<1x1x128xi32, #tpu.memory_space<vmem>>
          %dma_start3A_106 = tpu.memref_squeeze %dma_start3A_105 : memref<1x1x128xi32, #tpu.memory_space<vmem>> -> memref<128xi32, #tpu.memory_space<vmem>>
          %dma_start3A_107 = arith.constant 0 : i32
          %dma_start3A_108 = arith.constant 0 : i32
          %dma_start3A_109 = tpu.memref_slice %arg6[%dma_start3A_107, %dma_start3A_108] : memref<10008x128xf32, #tpu.memory_space<vmem_shared>> -> memref<10008x128xf32, #tpu.memory_space<vmem_shared>>
          tpu.enqueue_indirect_dma source(%dma_start3A_103 : memref<128x128xf32, #tpu.memory_space<vmem>>) target(%dma_start3A_109 : memref<10008x128xf32, #tpu.memory_space<vmem_shared>>) offsets(%dma_start3A_106 : memref<128xi32, #tpu.memory_space<vmem>>) semaphore(%run_scoped3A_99 : memref<!tpu.dma_semaphore, #tpu.memory_space<semaphore_mem>>) {add = true}
          %dma_wait3A_110 = arith.constant 0 : i32
          %dma_wait3A_111 = arith.constant 0 : i32
          %dma_wait3A_112 = tpu.memref_slice %arg9[%run_scoped3A_97, %dma_wait3A_110, %dma_wait3A_111] : memref<2x128x128xf32, #tpu.memory_space<vmem>> -> memref<1x128x128xf32, #tpu.memory_space<vmem>>
          %dma_wait3A_113 = tpu.memref_squeeze %dma_wait3A_112 : memref<1x128x128xf32, #tpu.memory_space<vmem>> -> memref<128x128xf32, #tpu.memory_space<vmem>>
          %dma_wait3A_114 = arith.constant 0 : i32
          %dma_wait3A_115 = tpu.memref_slice %arg8[%add3A_84, %run_scoped3A_98, %dma_wait3A_114] : memref<42x2x128xi32, #tpu.memory_space<vmem>> -> memref<1x1x128xi32, #tpu.memory_space<vmem>>
          %dma_wait3A_116 = tpu.memref_squeeze %dma_wait3A_115 : memref<1x1x128xi32, #tpu.memory_space<vmem>> -> memref<128xi32, #tpu.memory_space<vmem>>
          %dma_wait3A_117 = arith.constant 0 : i32
          %dma_wait3A_118 = arith.constant 0 : i32
          %dma_wait3A_119 = tpu.memref_slice %arg6[%dma_wait3A_117, %dma_wait3A_118] : memref<10008x128xf32, #tpu.memory_space<vmem_shared>> -> memref<10008x128xf32, #tpu.memory_space<vmem_shared>>
          tpu.wait_indirect_dma semaphore(%run_scoped3A_99 : memref<!tpu.dma_semaphore, #tpu.memory_space<semaphore_mem>>) src(%dma_wait3A_113 : memref<128x128xf32, #tpu.memory_space<vmem>>) dst(%dma_wait3A_119 : memref<10008x128xf32, #tpu.memory_space<vmem_shared>>)
          tpu.yield
        }) : () -> ()
      }
      %scan3A_39 = arith.constant 21 : i32
    } else {
    }
    %barrier3A_23 = arith.constant 0 : index
    tpu.barrier barrier_id(%barrier3A_23)
    %lt3A_24 = arith.constant 15 : i32
    %lt3A_25 = arith.cmpi slt, %arg1, %lt3A_24 : i32
    %convert_element_type3A_26 = arith.extui %lt3A_25 : i1 to i32
    %cond3A_27 = arith.constant 0 : i32
    %cond3A_28 = arith.cmpi ne, %convert_element_type3A_26, %cond3A_27 : i32
    scf.if %cond3A_28 {
      "tpu.region"() ({
        %run_scoped3A = tpu.sem_alloc : memref<!tpu.dma_semaphore, #tpu.memory_space<semaphore_mem>>
        %dma_start3A = arith.constant 0 : i32
        %dma_start3A_34 = tpu.memref_slice %arg5[%arg0, %multiple_of3A, %dma_start3A] : memref<2x10000x128xf32, #tpu.memory_space<hbm>> -> memref<1x624x128xf32, #tpu.memory_space<hbm>>
        %dma_start3A_35 = tpu.memref_squeeze %dma_start3A_34 : memref<1x624x128xf32, #tpu.memory_space<hbm>> -> memref<624x128xf32, #tpu.memory_space<hbm>>
        %dma_start3A_36 = arith.constant 0 : i32
        %dma_start3A_37 = tpu.memref_slice %arg6[%multiple_of3A, %dma_start3A_36] : memref<10008x128xf32, #tpu.memory_space<vmem_shared>> -> memref<624x128xf32, #tpu.memory_space<vmem_shared>>
        tpu.enqueue_dma source(%dma_start3A_37 : memref<624x128xf32, #tpu.memory_space<vmem_shared>>) target(%dma_start3A_35 : memref<624x128xf32, #tpu.memory_space<hbm>>) target_semaphore(%run_scoped3A : memref<!tpu.dma_semaphore, #tpu.memory_space<semaphore_mem>>)
        %dma_wait3A = arith.constant 0 : i32
        %dma_wait3A_38 = tpu.memref_slice %arg5[%arg0, %multiple_of3A, %dma_wait3A] : memref<2x10000x128xf32, #tpu.memory_space<hbm>> -> memref<1x624x128xf32, #tpu.memory_space<hbm>>
        %dma_wait3A_39 = tpu.memref_squeeze %dma_wait3A_38 : memref<1x624x128xf32, #tpu.memory_space<hbm>> -> memref<624x128xf32, #tpu.memory_space<hbm>>
        %dma_wait3A_40 = arith.constant 0 : i32
        %dma_wait3A_41 = tpu.memref_slice %arg6[%multiple_of3A, %dma_wait3A_40] : memref<10008x128xf32, #tpu.memory_space<vmem_shared>> -> memref<624x128xf32, #tpu.memory_space<vmem_shared>>
        tpu.wait_dma2 semaphore(%run_scoped3A : memref<!tpu.dma_semaphore, #tpu.memory_space<semaphore_mem>>) src(%dma_wait3A_41 : memref<624x128xf32, #tpu.memory_space<vmem_shared>>) dst(%dma_wait3A_39 : memref<624x128xf32, #tpu.memory_space<hbm>>)
        tpu.yield
      }) : () -> ()
    } else {
    }
    %eq3A_29 = arith.constant 15 : i32
    %eq3A_30 = arith.cmpi eq, %arg1, %eq3A_29 : i32
    %convert_element_type3A_31 = arith.extui %eq3A_30 : i1 to i32
    %cond3A_32 = arith.constant 0 : i32
    %cond3A_33 = arith.cmpi ne, %convert_element_type3A_31, %cond3A_32 : i32
    scf.if %cond3A_33 {
      "tpu.region"() ({
        %run_scoped3A = tpu.sem_alloc : memref<!tpu.dma_semaphore, #tpu.memory_space<semaphore_mem>>
        %dma_start3A = arith.constant 9360 : i32
        %dma_start3A_34 = arith.constant 0 : i32
        %dma_start3A_35 = tpu.memref_slice %arg5[%arg0, %dma_start3A, %dma_start3A_34] : memref<2x10000x128xf32, #tpu.memory_space<hbm>> -> memref<1x640x128xf32, #tpu.memory_space<hbm>>
        %dma_start3A_36 = tpu.memref_squeeze %dma_start3A_35 : memref<1x640x128xf32, #tpu.memory_space<hbm>> -> memref<640x128xf32, #tpu.memory_space<hbm>>
        %dma_start3A_37 = arith.constant 9360 : i32
        %dma_start3A_38 = arith.constant 0 : i32
        %dma_start3A_39 = tpu.memref_slice %arg6[%dma_start3A_37, %dma_start3A_38] : memref<10008x128xf32, #tpu.memory_space<vmem_shared>> -> memref<640x128xf32, #tpu.memory_space<vmem_shared>>
        tpu.enqueue_dma source(%dma_start3A_39 : memref<640x128xf32, #tpu.memory_space<vmem_shared>>) target(%dma_start3A_36 : memref<640x128xf32, #tpu.memory_space<hbm>>) target_semaphore(%run_scoped3A : memref<!tpu.dma_semaphore, #tpu.memory_space<semaphore_mem>>)
        %dma_wait3A = arith.constant 9360 : i32
        %dma_wait3A_40 = arith.constant 0 : i32
        %dma_wait3A_41 = tpu.memref_slice %arg5[%arg0, %dma_wait3A, %dma_wait3A_40] : memref<2x10000x128xf32, #tpu.memory_space<hbm>> -> memref<1x640x128xf32, #tpu.memory_space<hbm>>
        %dma_wait3A_42 = tpu.memref_squeeze %dma_wait3A_41 : memref<1x640x128xf32, #tpu.memory_space<hbm>> -> memref<640x128xf32, #tpu.memory_space<hbm>>
        %dma_wait3A_43 = arith.constant 9360 : i32
        %dma_wait3A_44 = arith.constant 0 : i32
        %dma_wait3A_45 = tpu.memref_slice %arg6[%dma_wait3A_43, %dma_wait3A_44] : memref<10008x128xf32, #tpu.memory_space<vmem_shared>> -> memref<640x128xf32, #tpu.memory_space<vmem_shared>>
        tpu.wait_dma2 semaphore(%run_scoped3A : memref<!tpu.dma_semaphore, #tpu.memory_space<semaphore_mem>>) src(%dma_wait3A_45 : memref<640x128xf32, #tpu.memory_space<vmem_shared>>) dst(%dma_wait3A_42 : memref<640x128xf32, #tpu.memory_space<hbm>>)
        tpu.yield
      }) : () -> ()
    } else {
    }
    return
  }
}

module attributes {stable_mosaic.version = 14 : i64} {
  func.func @_tc_body(%arg0: i32, %arg1: memref<1000x128xf32, #tpu.memory_space<vmem>>, %arg2: memref<1000x128xf32, #tpu.memory_space<vmem>>, %arg3: memref<1000x128xf32, #tpu.memory_space<vmem>>, %arg4: memref<128x128xf32, #tpu.memory_space<vmem>>, %arg5: memref<128x128xf32, #tpu.memory_space<vmem>>, %arg6: memref<1x128xf32, #tpu.memory_space<vmem>>, %arg7: memref<1000x128xf32, #tpu.memory_space<vmem>>) attributes {dimension_semantics = [#tpu.dimension_semantics<arbitrary>], iteration_bounds = array<i64: 10>, scalar_prefetch = 0 : i64, scratch_operands = 0 : i64, tpu.core_type = #tpu.core_type<tc>, window_params = [{transform_indices = @transform_0, window_bounds = array<i64: 1000, 128>}, {transform_indices = @transform_1, window_bounds = array<i64: 1000, 128>}, {transform_indices = @transform_2, window_bounds = array<i64: 1000, 128>}, {pipeline_mode = #tpu.pipeline_mode<synchronous>, transform_indices = @transform_3, window_bounds = array<i64: 128, 128>}, {pipeline_mode = #tpu.pipeline_mode<synchronous>, transform_indices = @transform_4, window_bounds = array<i64: 128, 128>}, {pipeline_mode = #tpu.pipeline_mode<synchronous>, transform_indices = @transform_5, window_bounds = array<i64: 1, 128>}, {transform_indices = @transform_6, window_bounds = array<i64: 1000, 128>}]} {
    %get3A = arith.constant 0 : index
    %get3A_0 = arith.constant 0 : index
    %get3A_1 = vector.load %arg2[%get3A, %get3A_0] : memref<1000x128xf32, #tpu.memory_space<vmem>>, vector<1000x128xf32>
    %get3A_2 = arith.constant 0 : index
    %get3A_3 = arith.constant 0 : index
    %get3A_4 = vector.load %arg3[%get3A_2, %get3A_3] : memref<1000x128xf32, #tpu.memory_space<vmem>>, vector<1000x128xf32>
    %add3A = arith.addf %get3A_1, %get3A_4 : vector<1000x128xf32>
    %get3A_5 = arith.constant 0 : index
    %get3A_6 = arith.constant 0 : index
    %get3A_7 = vector.load %arg1[%get3A_5, %get3A_6] : memref<1000x128xf32, #tpu.memory_space<vmem>>, vector<1000x128xf32>
    %get3A_8 = arith.constant 0 : index
    %get3A_9 = arith.constant 0 : index
    %get3A_10 = vector.load %arg4[%get3A_8, %get3A_9] : memref<128x128xf32, #tpu.memory_space<vmem>>, vector<128x128xf32>
    %dot_general3A = arith.constant dense<0.000000e+00> : vector<1000x128xf32>
    %dot_general3A_11 = tpu.matmul %get3A_7, %get3A_10, %dot_general3A {dimension_numbers = #tpu.dot_dimension_numbers<[1], [0], [0], [1], [0, 0, 1, 1], [], []>, transpose_lhs_hint = false} : vector<1000x128xf32>, vector<128x128xf32>, vector<1000x128xf32> -> vector<1000x128xf32>
    %get3A_12 = arith.constant 0 : index
    %get3A_13 = arith.constant 0 : index
    %get3A_14 = vector.load %arg5[%get3A_12, %get3A_13] : memref<128x128xf32, #tpu.memory_space<vmem>>, vector<128x128xf32>
    %dot_general3A_15 = arith.constant dense<0.000000e+00> : vector<1000x128xf32>
    %dot_general3A_16 = tpu.matmul %add3A, %get3A_14, %dot_general3A_15 {dimension_numbers = #tpu.dot_dimension_numbers<[1], [0], [0], [1], [0, 0, 1, 1], [], []>, transpose_lhs_hint = false} : vector<1000x128xf32>, vector<128x128xf32>, vector<1000x128xf32> -> vector<1000x128xf32>
    %add3A_17 = arith.addf %dot_general3A_11, %dot_general3A_16 : vector<1000x128xf32>
    %get3A_18 = arith.constant 0 : index
    %get3A_19 = arith.constant 0 : index
    %get3A_20 = vector.load %arg6[%get3A_18, %get3A_19] : memref<1x128xf32, #tpu.memory_space<vmem>>, vector<1x128xf32>
    %add3A_21 = vector.broadcast %get3A_20 : vector<1x128xf32> to vector<1000x128xf32>
    %add3A_22 = arith.addf %add3A_17, %add3A_21 : vector<1000x128xf32>
    %max3A = arith.constant 0.000000e+00 : f32
    %max3A_23 = vector.broadcast %max3A : f32 to vector<1000x128xf32>
    %max3A_24 = arith.maximumf %add3A_22, %max3A_23 : vector<1000x128xf32>
    %swap3A = arith.constant 0 : index
    %swap3A_25 = arith.constant 0 : index
    %swap3A_26 = vector.load %arg7[%swap3A, %swap3A_25] : memref<1000x128xf32, #tpu.memory_space<vmem>>, vector<1000x128xf32>
    tpu.vector_store %arg7[%swap3A, %swap3A_25], %max3A_24 {strides = array<i32>} : memref<1000x128xf32, #tpu.memory_space<vmem>>, vector<1000x128xf32>,
    return
  }
  func.func @transform_0(%arg0: i32) -> (i32, i32) {
    %c0_i32 = arith.constant 0 : i32
    %c0_i32_0 = arith.constant 0 : i32
    return %arg0, %c0_i32 : i32, i32
  }
  func.func @transform_1(%arg0: i32) -> (i32, i32) {
    %c0_i32 = arith.constant 0 : i32
    %c0_i32_0 = arith.constant 0 : i32
    return %arg0, %c0_i32 : i32, i32
  }
  func.func @transform_2(%arg0: i32) -> (i32, i32) {
    %c0_i32 = arith.constant 0 : i32
    %c0_i32_0 = arith.constant 0 : i32
    return %arg0, %c0_i32 : i32, i32
  }
  func.func @transform_3(%arg0: i32) -> (i32, i32) {
    %c0_i32 = arith.constant 0 : i32
    %c0_i32_0 = arith.constant 0 : i32
    %c0_i32_1 = arith.constant 0 : i32
    return %c0_i32, %c0_i32_0 : i32, i32
  }
  func.func @transform_4(%arg0: i32) -> (i32, i32) {
    %c0_i32 = arith.constant 0 : i32
    %c0_i32_0 = arith.constant 0 : i32
    %c0_i32_1 = arith.constant 0 : i32
    return %c0_i32, %c0_i32_0 : i32, i32
  }
  func.func @transform_5(%arg0: i32) -> (i32, i32) {
    %c0_i32 = arith.constant 0 : i32
    %c0_i32_0 = arith.constant 0 : i32
    %c0_i32_1 = arith.constant 0 : i32
    return %c0_i32, %c0_i32_0 : i32, i32
  }
  func.func @transform_6(%arg0: i32) -> (i32, i32) {
    %c0_i32 = arith.constant 0 : i32
    %c0_i32_0 = arith.constant 0 : i32
    return %arg0, %c0_i32 : i32, i32
  }
}

</mosaic_0001>

<sc_bundles>
// kernel: kernel.4.cloned.1.call-start
scs
__scs_entry_jumppad:
0x0: {  	(pc) =	sbr.rel $0x88, $3  }
0x1: {  	(tag) =	ssettag $0x0;
	lr =	simm.s32 $0x1  }
0x2: {  	[smem:$0x3F9C] =	sst lr;
	_ =	strace $0xD0000000  }
0x3: {  	_ = 	snop  }
0x4: {  	_ = 	snop  }
0x5: {  	_ = 	snop  }
0x6: {  	_ = 	snop  }
0x7: {  	_ = 	snop  }
__scs_overlays_trampoline_lowered:
0x8: {  	[smem:$0x3FAB] =	sst s0  }
0x9: {  	[smem:$0x3FAC] =	sst s1  }
0xa: {  	[smem:$0x3FAD] =	sst s2  }
0xb: {  	[smem:$0x3FAE] =	sst s3  }
0xc: {  	[smem:$0x3FAF] =	sst s4  }
0xd: {  	[smem:$0x3FB0] =	sst s5  }
0xe: {  	[smem:$0x3FB1] =	sst s6  }
0xf: {  	[smem:$0x3FB2] =	sst s7  }
0x10: {  	[smem:$0x3FB3] =	sst s8  }
0x11: {  	[smem:$0x3FB4] =	sst s9;
	s0 =	simm.s32 @!p0 $0x0  }
0x12: {  	s1 =	sld [smem:$0x3F9A];
	s0 =	simm.s32 @p0 $0x1  }
0x13: {  	[smem:$0x3FB5] =	sst s0;
	s0 =	simm.s32 @!p1 $0x0  }
0x14: {  	s2 =	sld [smem:$0x3F99];
	s0 =	simm.s32 @p1 $0x1  }
0x15: {  	[smem:$0x3FB6] =	sst s0;
	s0 =	simm.s32 @!p2 $0x0  }
0x16: {  	s3 =	sld [smem:$0x3FDB];
	s0 =	simm.s32 @p2 $0x1  }
0x17: {  	s4 =	simm.s32 $0x1BF5;
	[smem:$0x3FB8] =	sst s0  }
0x18: {  	s0 =	sld [smem:$0x3F9B];
	_ =	swait.ge [sflag:s4], $0x0  }
0x19: {  	s7 =	sld [smem:$0x3F9C]  }
0x1a: {  	s8 =	sadd.s32 $0xFFFFE003, lr  }
0x1b: {  	s9 =	sadd.s32 $0xFFFFFEF7, lr;
	s5 =	simm.s32 $0xFFFFFFFF;
	p2 =	slt.u32 s8, $0xFFFFF086  }
0x1c: {  	p1 =	slt.u32 s9, $0xF7A;
	s5 =	simm.s32 @!p2 $0x0  }
0x1d: {  	s5 =	simm.s32 @p1 $0x1;
	p0 =	seq.s32 s7, s2  }
0x1e: {  	s7 =	smul.u32 @!p0 $0xF7A, s2;
	p2 =	seq.s32 @!p0 s5, $0x0  }
0x1f: {  	s9 =	smul.u32 $0xF7A, s1;
	s8 =	simm.s32 @!p0 $0x1BF5;
	p2 =	por !p2, p0  }
0x20: {  	[sflag:s8] =	ssyncset.s32 @!p0 $0xFFFFF086;
	s6 =	sadd.s32 @!p0 s3, s7;
	s7 =	simm.s32 @!p0 $0x108  }
0x21: {  	s3 =	sadd.s32 s3, s9;
	s6 =	sadd.s32 @!p0 $0x88, s6;
	s7 =	simm.s32 @p2 $0x1082  }
0x22: {  	[simem:s7], [sflag:s8] =	dma.local @!p0 [hbm:s6], $0xF7A  }
0x23: {  	s9 =	sor.u32 $0xD0000000, s2;
	s6 =	simm.s32 $0x108;
	_ =	swait.ge @!p0 [sflag:s8], $0x0  }
0x24: {  	s3 =	sadd.s32 $0x88, s3;
	s6 =	simm.s32 @!p1 $0x1082;
	[sflag:s4] =	ssyncset.s32 $0xFFFFF086  }
0x25: {  	[simem:s6], [sflag:s4] =	dma.local [hbm:s3], $0xF7A  }
0x26: {  	[smem:$0x3F9C] =	sst s1;
	(tag) =	ssettag s2;
	_ =	strace s9  }
0x27: {  	s1 =	sld [smem:$0x3FAC]  }
0x28: {  	s2 =	sld [smem:$0x3FAD]  }
0x29: {  	s4 =	sld [smem:$0x3FAF]  }
0x2a: {  	p0 =	seq.s32 s5, $0x0;
	s5 =	sld [smem:$0x3FB0]  }
0x2b: {  	s6 =	sld [smem:$0x3FB1]  }
0x2c: {  	s7 =	sld [smem:$0x3FB2]  }
0x2d: {  	s3 =	simm.s32 $0x108;
	s8 =	sld [smem:$0x3FB3]  }
0x2e: {  	s3 =	simm.s32 @!p0 $0x1082;
	s9 =	sld [smem:$0x3FB4]  }
0x2f: {  	lr =	sadd.s32 s0, s3;
	s0 =	sld [smem:$0x3FAB]  }
0x30: {  	s3 =	sld [smem:$0x3FAE]  }
0x31: {  	[smem:$0x3FB7] =	sst s10  }
0x32: {  	s10 =	sld [smem:$0x3FB5];
	_ =	sdelay $0x3  }
0x33: {  	p0 =	seq.s32 s10, $0x1;
	s10 =	sld [smem:$0x3FB7];
	_ =	sdelay $0x3  }
0x34: {  	[smem:$0x3FB7] =	sst s10  }
0x35: {  	s10 =	sld [smem:$0x3FB6];
	_ =	sdelay $0x3  }
0x36: {  	p1 =	seq.s32 s10, $0x1;
	s10 =	sld [smem:$0x3FB7];
	_ =	sdelay $0x3  }
0x37: {  	[smem:$0x3FB7] =	sst s10  }
0x38: {  	s10 =	sld [smem:$0x3FB8]  }
0x39: {  	_ = 	snop;
	(pc) =	sbr.ind lr, $3  }
0x3a: {  	_ = 	snop  }
0x3b: {  	_ = 	snop  }
0x3c: {  	p2 =	seq.s32 s10, $0x1;
	s10 =	sld [smem:$0x3FB7]  }
0x3d: {  	_ =	shalt  }
0x3e: {  	_ =	shalt  }
0x3f: {  	_ =	shalt  }
0x40: {  	_ =	shalt  }
0x41: {  	_ =	shalt  }
0x42: {  	_ =	shalt  }
0x43: {  	_ =	shalt  }
0x44: {  	_ =	shalt  }
0x45: {  	_ =	shalt  }
0x46: {  	_ =	shalt  }
0x47: {  	_ =	shalt  }
0x48: {  	_ =	shalt  }
0x49: {  	_ =	shalt  }
0x4a: {  	_ =	shalt  }
0x4b: {  	_ =	shalt  }
0x4c: {  	_ =	shalt  }
0x4d: {  	_ =	shalt  }
0x4e: {  	_ =	shalt  }
0x4f: {  	_ =	shalt  }
0x50: {  	_ =	shalt  }
0x51: {  	_ =	shalt  }
0x52: {  	_ =	shalt  }
0x53: {  	_ =	shalt  }
0x54: {  	_ =	shalt  }
0x55: {  	_ =	shalt  }
0x56: {  	_ =	shalt  }
0x57: {  	_ =	shalt  }
0x58: {  	_ =	shalt  }
0x59: {  	_ =	shalt  }
0x5a: {  	_ =	shalt  }
0x5b: {  	_ =	shalt  }
0x5c: {  	_ =	shalt  }
0x5d: {  	_ =	shalt  }
0x5e: {  	_ =	shalt  }
0x5f: {  	_ =	shalt  }
0x60: {  	_ =	shalt  }
0x61: {  	_ =	shalt  }
0x62: {  	_ =	shalt  }
0x63: {  	_ =	shalt  }
0x64: {  	_ =	shalt  }
0x65: {  	_ =	shalt  }
0x66: {  	_ =	shalt  }
0x67: {  	_ =	shalt  }
0x68: {  	_ =	shalt  }
0x69: {  	_ =	shalt  }
0x6a: {  	_ =	shalt  }
0x6b: {  	_ =	shalt  }
0x6c: {  	_ =	shalt  }
0x6d: {  	_ =	shalt  }
0x6e: {  	_ =	shalt  }
0x6f: {  	_ =	shalt  }
0x70: {  	_ =	shalt  }
0x71: {  	_ =	shalt  }
0x72: {  	_ =	shalt  }
0x73: {  	_ =	shalt  }
0x74: {  	_ =	shalt  }
0x75: {  	_ =	shalt  }
0x76: {  	_ =	shalt  }
0x77: {  	_ =	shalt  }
0x78: {  	_ =	shalt  }
0x79: {  	_ =	shalt  }
0x7a: {  	_ =	shalt  }
0x7b: {  	_ =	shalt  }
0x7c: {  	_ =	shalt  }
0x7d: {  	_ =	shalt  }
0x7e: {  	_ =	shalt  }
0x7f: {  	_ =	shalt  }
0x80: {  	_ =	shalt  }
0x81: {  	_ =	shalt  }
0x82: {  	_ =	shalt  }
0x83: {  	_ =	shalt  }
0x84: {  	_ =	shalt  }
0x85: {  	_ =	shalt  }
0x86: {  	_ =	shalt  }
0x87: {  	_ =	shalt  }
.Lfunc_end0:
.L_simem_size_0:
called_computation_lowered:
.L_overlay_start_0:
0x88: {  	s2 =	sld [smem:$0x3FD9]  }
0x89: {  	s3 =	sld [smem:$0x3FFE];
	_ =	sdelay $0x1  }
0x8a: {  	s1 =	srdreg.scid  }
0x8b: {  	s0 =	sand.u32 $0x1, s1  }
0x8c: {  	s17 =	sshll.u32 s0, $0xA;
	s2 =	sadd.s32 s3, s2  }
0x8d: {  	s2 =	sadd.s32 s2, s17  }
0x8e: {  	[smem:$0x3FC3] =	sst s2  }
0x8f: {  	_ = 	snop  }
0x90: {  	s2 =	sld [smem:$0x3FC9]  }
0x91: {  	s18 =	sld [smem:$0x3FD0];
	(tm) =	ssettm $0x1  }
0x92: {  	s4 =	sld [smem:$0x3FFB];
	_ =	sdelay $0x3  }
0x93: {  	_ =	strace s4  }
0x94: {  	s4 =	sld [smem:$0x3FFC];
	_ =	sdelay $0x3  }
0x95: {  	_ =	strace s4  }
0x96: {  	s4 =	sld [smem:$0x3FFD];
	_ =	sdelay $0x3  }
0x97: {  	_ =	strace s4  }
0x98: {  	_ =	strace $0x8FFFFFFF  }
0x99: {  	s19 =	sld [smem:$0x3FDB];
	_ =	sdelay $0x1  }
0x9a: {  	s5 =	simm.s32 $_scs_section_size  }
0x9b: {  	s6 =	simm.s32 $_size__tile_overlayer_lowered;
	s7 =	simm.s32 $_tile_overlayer_lowered  }
0x9c: {  	s22 =	simm.s32 $0x1BFF;
	s21 =	sshll.u32 s7, $0x1;
	s4 =	sadd.s32 s5, s19  }
0x9d: {  	s8 =	simm.s32 $0x0;
	s20 =	sshll.u32 s6, $0x1;
	s6 =	sadd.s32 s21, s4  }
0x9e: {  	[timem:s8], [sflag:s22] =	dma.local [hbm:s6], s20  }
0x9f: {  	_ =	swait.ge [sflag:s22], s20  }
0xa0: {  	s5 =	ssub.s32 $0x0, s20;
	[sflag:s22] =	ssyncset.done $0x0  }
0xa1: {  	[sflag:s22] =	ssyncadd.s32 s5;
	_ =	sdelay $0x1  }
0xa2: {  	s23 =	simm.s32 $0x1B8B  }
0xa3: {  	_ =	swait.ge [sflag:s23], $0x1  }
0xa4: {  	[sflag:s23] =	ssyncset.done $0x0  }
0xa5: {  	s25 =	simm.s32 $0x1B8E;
	s24 =	sld [smem:$0x3FFE];
	[sflag:s23] =	ssyncadd.s32 $0xFFFFFFFF  }
0xa6: {  	s26 =	simm.s32 $execute0_lowered;
	[smem:$0x3FD2] =	sst s25  }
0xa7: {  	s6 =	sshll.u32 s26, $0x1;
	_ =	strace $0x80000046;
	[dreg:$0x1] =	wrdreg $0xFFFFFFFF  }
0xa8: {  	s28 =	simm.s32 $_size_execute0_lowered;
	s4 =	sadd.s32 s4, s6;
	[dreg:$0x0] =	wrdreg $0x0  }
0xa9: {  	s6 =	sshll.u32 s28, $0x1;
	[dreg:$0x2] =	wrdreg s4  }
0xaa: {  	[dreg:$0x3] =	wrdreg s6  }
0xab: {  	[dreg:$0x4] =	wrdreg $0xC0  }
0xac: {  	_ =	task [dreg:s8], $0x5FFFF  }
0xad: {  	[dreg:$0x1] =	wrdreg $0xFFFFFFFF  }
0xae: {  	[dreg:$0x0] =	wrdreg $0x60  }
0xaf: {  	[dreg:$0x2] =	wrdreg s2  }
0xb0: {  	[dreg:$0x3] =	wrdreg s18  }
0xb1: {  	[dreg:$0x4] =	wrdreg s24  }
0xb2: {  	[dreg:$0x5] =	wrdreg $0x0  }
0xb3: {  	[dreg:$0x6] =	wrdreg $0x9  }
0xb4: {  	_ =	task.clear_ibuf [dreg:s8], $0x7FFFF;
	_ =	strace $0x90000046  }
0xb5: {  	s29 =	simm.s32 $0x9;
	_ =	strace $0x80000048  }
0xb6: {  	_ =	swait.ge [sflag:s29], $0x1  }
0xb7: {  	[sflag:s29] =	ssyncadd.s32 $0xFFFFFFFF  }
0xb8: {  	_ =	strace $0x90000048  }
0xb9: {  	_ =	sfence  }
0xba: {  	s30 =	sld [smem:$0x0];
	_ =	sdelay $0x2  }
0xbb: {  	s31 =	sshll.u32 s1, $0xD;
	s1 =	sshrl.u32 s1, $0x2  }
0xbc: {  	s3 =	sand.u32 $0x4000, s31;
	s1 =	sadd.s32 s1, s30  }
0xbd: {  	s0 =	sor.u32 s3, s0;
	s1 =	sshll.u32 s1, $0x11  }
0xbe: {  	s0 =	sor.u32 s1, s0  }
0xbf: {  	s0 =	sadd.s32 $0x8F2B, s0  }
0xc0: {  	[sflag:s0] =	ssyncadd.remote.s32 $0x1  }
0xc1: {  	_ =	sfence.sel $0xFFFF  }
0xc2: {  	[dreg:$0x0] =	wrdreg $0xFFFFFFFF;
	(pc) =	sbr.abs _section_cstart, $3  }
0xc3: {  	[dreg:$0x1] =	wrdreg $0xFFFFFFFF  }
0xc4: {  	_ =	task.clear_ibuf [dreg:s8], $0x2FFFF;
	_ =	strace $0x9FFFFFFF  }
0xc5: {  	(tm) =	ssettm $0x7FFFFFFF  }
tec
execute0_lowered:
.L_overlay_start_1:
0x0: {  	(tag) =	ssettag $0x1  }
0x1: {  	s2 =	rddreg [dreg:$0x0]  }
0x2: {  	s0 =	rddreg [dreg:$0x1]  }
0x3: {  	s1 =	rddreg [dreg:$0x2]  }
0x4: {  	s3 =	rddreg [dreg:$0x3];
	s8 =	stileid.u32  }
0x5: {  	s4 =	simm.s32 $0x0;
	s22 =	srdreg.scid;
	s29 =	simm.s32 $0x138C0  }
0x6: {  	s30 =	simm.s32 $0x139C0;
	s31 =	simm.s32 $0x13940;
	s5 =	smul.u32 $0x540, s8  }
0x7: {  	[smem:$0x7FF] =	sst s4;
	s6 =	smul.u32 $0x4E000, s8;
	s9 =	sadd.s32 $0x124800, s3  }
0x8: {  	s28 =	simm.s32 $0x2;
	s10 =	sadd.s32 $0x128800, s3;
	s11 =	sadd.s32 $0x12C800, s3  }
0x9: {  	s17 =	sand.u32 $0x1, s22;
	s13 =	sadd.s32 $0x130800, s3;
	s19 =	smul.u32 $0x13800, s8  }
0xa: {  	s21 =	smul.u32 $0xE80, s8;
	p1 =	seq.s32 s8, $0xF;
	s22 =	simm.s32 $0x3  }
0xb: {  	_ =	strace $0x80000047;
	s14 =	ssub.s32 $0x2, s17;
	s18 =	smul.u32 $0x138800, s17  }
0xc: {  	p0 =	seq.s32 s17, $0x1;
	s16 =	sadd.s32 s5, s1;
	s6 =	sshrl.u32 s6, $0x2  }
0xd: {  	s1 =	sadd.s32 $0x6600, s1;
	s15 =	sshrl.u32 s14, $0x1;
	s5 =	sadd.s32 s6, s3  }
0xe: {  	s20 =	ssub.s32 s14, s15;
	s14 =	sadd.s32 $0x134800, s3;
	s15 =	sadd.s32 $0x138800, s3  }
0xf: {  	s25 =	sadd.s32 s19, s18;
	s18 =	sshrl.u32 s18, $0x3;
	s26 =	sadd.s32 $0x1200, s16  }
0x10: {  	s6 =	sadd.s32 $0x4000, s5;
	s23 =	sadd.s32 $0x8000, s5;
	s24 =	sadd.s32 $0xC000, s5  }
0x11: {  	s12 =	sadd.s32 $0x10000, s5;
	s17 =	sshrl.u32 s25, $0x3;
	s18 =	sadd.s32 s1, s18  }
.Ltmp0:
0x12: {  	[dreg:$0x8] =	wrdreg s26;
	s19 =	smax.u32 s20, $0x1;
	(pc) =	sbr.rel .LBB2_1-.Ltmp0, $4  }
0x13: {  	s20 =	sadd.s32 s21, s0;
	s25 =	simm.s32 $0x1A4C0;
	[dreg:$0x5] =	wrdreg s6  }
0x14: {  	s26 =	simm.s32 $0x1;
	s0 =	simm.s32 $0x13A40;
	[dreg:$0x6] =	wrdreg s23  }
0x15: {  	s21 =	simm.s32 $0x0;
	[dreg:$0x7] =	wrdreg s24;
	s17 =	sadd.s32 s1, s17  }
0x16: {  	v0 =	vimm.f32 $0.0e+00;
	s18 =	sadd.s32 $0x24900, s18;
	s23 =	simm.s32 $0x80;
	s24 =	simm.s32 $0x164C0  }
.LBB2_6:
0x17: {  	s1 =	sadd.s32 s16, s20;
	[sflag:s22] =	ssyncadd.s32 $0xFFFFC000  }
0x18: {  	[tilespmem:s29], [sflag:$0x3] =	stream.linear.gather [hbm4b:s1+s4], $0x200, $0x38;
	[tilespmem:$0x1E4C0] =	vst v63  }
0x19: {  	_ =	swait.ge [sflag:s22], $0x200  }
0x1a: {  	[sflag:s22] =	ssyncset.done $0x0  }
0x1b: {  	[sflag:s22] =	ssyncadd.s32 $0xFFFFFE00  }
0x1c: {  	[tilespmem:s24], [sflag:$0x1] =	stream.indirect.gather [hbm4b:s2+s23], $0x80, s29, s23, $0xb8;
	[tilespmem:$0x1E4C0] =	vst v63  }
0x1d: {  	_ = 	snop  }
0x1e: {  	[tilespmem:s25], [sflag:$0x2] =	stream.indirect.gather [hbm4b:s2+s23], $0x80, s30, s23, $0xb8;
	[tilespmem:$0x1E4C0] =	vst v63  }
0x1f: {  	_ =	swait.ge [sflag:s26], $0x4000  }
0x20: {  	[sflag:s26] =	ssyncset.done $0x0  }
0x21: {  	[sflag:s26] =	ssyncadd.s32 $0xFFFFC000  }
0x22: {  	[spmem:s3] =	stream.indirect.scatter.add.f32 [tilespmem:s24], [sflag:$0x3], $0x80, s31, s23, $0xb8;
	[tilespmem:$0x1E4C0] =	vst v63  }
0x23: {  	_ =	swait.ge [sflag:s22], $0x4000  }
0x24: {  	[sflag:s22] =	ssyncset.done $0x0  }
0x25: {  	[sflag:s22] =	ssyncadd.s32 $0xFFFFC000  }
0x26: {  	_ =	swait.ge [sflag:s28], $0x4000  }
0x27: {  	[sflag:s28] =	ssyncset.done $0x0  }
0x28: {  	[sflag:s28] =	ssyncadd.s32 $0xFFFFC000  }
0x29: {  	[spmem:s3] =	stream.indirect.scatter.add.f32 [tilespmem:s25], [sflag:$0x3], $0x80, s0, s23, $0xb8;
	[tilespmem:$0x1E4C0] =	vst v63  }
0x2a: {  	_ =	swait.ge [sflag:s22], $0x4000  }
0x2b: {  	[sflag:s22] =	ssyncset.done $0x0  }
0x2c: {  	[sflag:s22] =	ssyncadd.s32 $0xFFFFC000  }
.LBB2_10:
0x2d: {  	[bflag:$0x0] =	sbarrier.arrive $0xFFFF;
	s1 =	sshrl.u32 @p1 s9, $0x3;
	s6 =	simm.s32 @p1 $0x1FC3  }
0x2e: {  	[hbm:s18], [sflag:s6] =	dma.local @p1 [spmem:s1], $0x2800  }
0x2f: {  	s1 =	simm.s32 @p1 $0x3  }
0x30: {  	s21 =	sadd.s32 $0x1, s21;
	_ =	swait.ge @p1 [sflag:s1], $0x2800  }
0x31: {  	s6 =	sshll.u32 @!p1 s8, $0x6;
	p2 =	sne.s32 s21, s19;
	[sflag:s1] =	ssyncset.done @p1 $0x0  }
0x32: {  	[sflag:s1] =	ssyncadd.s32 @p1 $0xFFFFD800;
	s1 =	sor.u32 @!p1 $0x1C03, s6;
	s6 =	sshrl.u32 @!p1 s5, $0x3  }
0x33: {  	[hbm:s17], [sflag:s1] =	dma.local @!p1 [spmem:s6], $0x2700  }
.Ltmp1:
0x34: {  	_ = 	snop;
	(pc) =	sbr.rel @!p2 .LBB2_11-.Ltmp1, $4  }
0x35: {  	s1 =	simm.s32 @!p1 $0x3  }
0x36: {  	_ =	swait.ge @!p1 [sflag:s1], $0x2700  }
0x37: {  	[sflag:s1] =	ssyncset.done @!p1 $0x0  }
0x38: {  	[sflag:s1] =	ssyncadd.s32 @!p1 $0xFFFFD900  }
.LBB2_1:
0x39: {  	s16 =	simm.s32 $0x0;
	s1 =	simm.s32 $0x200  }
.LBB2_2:
0x3a: {  	p2 =	sne.s32 s1, $0xFE00;
	[tilespmem:s16+$0x16530] =	vst v0  }
0x3b: {  	[tilespmem:s16+$0x164C0] =	vst v0  }
0x3c: {  	[tilespmem:s16+$0x164D0] =	vst v0  }
.Ltmp2:
0x3d: {  	[tilespmem:s16+$0x164E0] =	vst v0;
	(pc) =	sbr.rel @p2 .LBB2_2-.Ltmp2, $4  }
0x3e: {  	[tilespmem:s16+$0x164F0] =	vst v0  }
0x3f: {  	[tilespmem:s16+$0x16500] =	vst v0  }
0x40: {  	[tilespmem:s16+$0x16510] =	vst v0  }
0x41: {  	[tilespmem:s16+$0x16520] =	vst v0;
	s16 =	sshra.s32 s1, $0x2;
	s1 =	sadd.s32 $0x200, s1  }
0x42: {  	[tilespmem:s16+$0x16530] =	vst v0  }
0x43: {  	[tilespmem:s16+$0x164C0] =	vst v0  }
0x44: {  	[tilespmem:s16+$0x164D0] =	vst v0  }
0x45: {  	[tilespmem:s16+$0x164E0] =	vst v0  }
0x46: {  	[tilespmem:s16+$0x164F0] =	vst v0  }
0x47: {  	[tilespmem:s16+$0x16500] =	vst v0  }
0x48: {  	[tilespmem:s16+$0x16510] =	vst v0  }
0x49: {  	[tilespmem:s16+$0x16520] =	vst v0;
	s1 =	simm.s32 @p1 $0x164C0;
	s16 =	simm.s32 @p1 $0x3  }
0x4a: {  	[spmem:s9] =	stream.linear.scatter @p1 [tilespmem:s1], [sflag:$0x3], $0x4000, $0x38;
	[tilespmem:$0x1E4C0] =	vst v63  }
0x4b: {  	_ =	swait.ge @p1 [sflag:s16], $0x4000  }
0x4c: {  	[sflag:s16] =	ssyncset.done @p1 $0x0  }
0x4d: {  	[sflag:s16] =	ssyncadd.s32 @p1 $0xFFFFC000  }
0x4e: {  	[spmem:s10] =	stream.linear.scatter @p1 [tilespmem:s1], [sflag:$0x3], $0x4000, $0x38;
	[tilespmem:$0x1E4C0] =	vst v63  }
0x4f: {  	_ =	swait.ge @p1 [sflag:s16], $0x4000  }
0x50: {  	[sflag:s16] =	ssyncset.done @p1 $0x0  }
0x51: {  	[sflag:s16] =	ssyncadd.s32 @p1 $0xFFFFC000  }
0x52: {  	[spmem:s11] =	stream.linear.scatter @p1 [tilespmem:s1], [sflag:$0x3], $0x4000, $0x38;
	[tilespmem:$0x1E4C0] =	vst v63  }
0x53: {  	_ =	swait.ge @p1 [sflag:s16], $0x4000  }
0x54: {  	[sflag:s16] =	ssyncset.done @p1 $0x0  }
0x55: {  	[sflag:s16] =	ssyncadd.s32 @p1 $0xFFFFC000  }
0x56: {  	[spmem:s13] =	stream.linear.scatter @p1 [tilespmem:s1], [sflag:$0x3], $0x4000, $0x38;
	[tilespmem:$0x1E4C0] =	vst v63  }
0x57: {  	_ =	swait.ge @p1 [sflag:s16], $0x4000  }
0x58: {  	[sflag:s16] =	ssyncset.done @p1 $0x0  }
0x59: {  	[sflag:s16] =	ssyncadd.s32 @p1 $0xFFFFC000  }
0x5a: {  	[spmem:s14] =	stream.linear.scatter @p1 [tilespmem:s1], [sflag:$0x3], $0x4000, $0x38;
	[tilespmem:$0x1E4C0] =	vst v63  }
0x5b: {  	_ =	swait.ge @p1 [sflag:s16], $0x4000  }
0x5c: {  	[sflag:s16] =	ssyncset.done @p1 $0x0  }
0x5d: {  	[sflag:s16] =	ssyncadd.s32 @p1 $0xFFFFC000  }
0x5e: {  	[spmem:s15] =	stream.linear.scatter @p1 [tilespmem:s1], [sflag:$0x3], $0x400, $0x38;
	[tilespmem:$0x1E4C0] =	vst v63  }
0x5f: {  	_ =	swait.ge @p1 [sflag:s16], $0x400  }
0x60: {  	[sflag:s16] =	ssyncset.done @p1 $0x0  }
0x61: {  	s1 =	simm.s32 @!p1 $0x164C0;
	[sflag:s16] =	ssyncadd.s32 @p1 $0xFFFFFC00;
	s16 =	simm.s32 @!p1 $0x3  }
0x62: {  	[spmem:s5] =	stream.linear.scatter @!p1 [tilespmem:s1], [sflag:$0x3], $0x4000, $0x38;
	[tilespmem:$0x1E4C0] =	vst v63  }
0x63: {  	_ =	swait.ge @!p1 [sflag:s16], $0x4000  }
0x64: {  	[sflag:s16] =	ssyncset.done @!p1 $0x0  }
0x65: {  	s6 =	rddreg [dreg:$0x5];
	[sflag:s16] =	ssyncadd.s32 @!p1 $0xFFFFC000  }
0x66: {  	[spmem:s6] =	stream.linear.scatter @!p1 [tilespmem:s1], [sflag:$0x3], $0x4000, $0x38;
	[tilespmem:$0x1E4C0] =	vst v63  }
0x67: {  	_ =	swait.ge @!p1 [sflag:s16], $0x4000  }
0x68: {  	[sflag:s16] =	ssyncset.done @!p1 $0x0  }
0x69: {  	s6 =	rddreg [dreg:$0x6];
	[sflag:s16] =	ssyncadd.s32 @!p1 $0xFFFFC000  }
0x6a: {  	[spmem:s6] =	stream.linear.scatter @!p1 [tilespmem:s1], [sflag:$0x3], $0x4000, $0x38;
	[tilespmem:$0x1E4C0] =	vst v63  }
0x6b: {  	_ =	swait.ge @!p1 [sflag:s16], $0x4000  }
0x6c: {  	[sflag:s16] =	ssyncset.done @!p1 $0x0  }
0x6d: {  	s6 =	rddreg [dreg:$0x7];
	[sflag:s16] =	ssyncadd.s32 @!p1 $0xFFFFC000  }
0x6e: {  	[spmem:s6] =	stream.linear.scatter @!p1 [tilespmem:s1], [sflag:$0x3], $0x4000, $0x38;
	[tilespmem:$0x1E4C0] =	vst v63  }
0x6f: {  	_ =	swait.ge @!p1 [sflag:s16], $0x4000  }
0x70: {  	[sflag:s16] =	ssyncset.done @!p1 $0x0  }
0x71: {  	[sflag:s16] =	ssyncadd.s32 @!p1 $0xFFFFC000  }
0x72: {  	[spmem:s12] =	stream.linear.scatter @!p1 [tilespmem:s1], [sflag:$0x3], $0x3800, $0x38;
	[tilespmem:$0x1E4C0] =	vst v63  }
.Ltmp3:
0x73: {  	_ =	swait.ge @!p1 [sflag:s16], $0x3800;
	(pc) =	sbr.rel @!p0 .LBB2_4-.Ltmp3, $4  }
0x74: {  	[sflag:s16] =	ssyncset.done @!p1 $0x0  }
0x75: {  	[sflag:s16] =	ssyncadd.s32 @!p1 $0xFFFFC800  }
0x76: {  	[bflag:$0x0] =	sbarrier.arrive $0xFFFF  }
0x77: {  	s1 =	simm.s32 $0x0  }
0x78: {  	s6 =	rddreg [dreg:$0x8];
	s7 =	simm.s32 $0x13AC0  }
0x79: {  	[tilespmem:s7], [sflag:$0x3] =	stream.linear.gather [hbm4b:s6+s1], $0x2A00, $0x38;
	[tilespmem:$0x1E4C0] =	vst v63  }
0x7a: {  	_ =	swait.ge [sflag:s22], $0x2A00  }
0x7b: {  	[sflag:s22] =	ssyncset.done $0x0  }
0x7c: {  	s6 =	simm.s32 $0x13AC0;
	[sflag:s22] =	ssyncadd.s32 $0xFFFFD600  }
0x7d: {  	[tilespmem:s24], [sflag:$0x1] =	stream.indirect.gather [hbm4b:s2+s23], $0x80, s6, s23, $0xb8;
	[tilespmem:$0x1E4C0] =	vst v63  }
0x7e: {  	s7 =	simm.s32 $0x13BC0  }
0x7f: {  	[tilespmem:s25], [sflag:$0x2] =	stream.indirect.gather [hbm4b:s2+s23], $0x80, s7, s23, $0xb8;
	[tilespmem:$0x1E4C0] =	vst v63  }
0x80: {  	_ =	swait.ge [sflag:s26], $0x4000  }
0x81: {  	[sflag:s26] =	ssyncset.done $0x0  }
0x82: {  	s8 =	simm.s32 $0x13B40;
	[sflag:s26] =	ssyncadd.s32 $0xFFFFC000  }
0x83: {  	[spmem:s3] =	stream.indirect.scatter.add.f32 [tilespmem:s24], [sflag:$0x3], $0x80, s8, s23, $0xb8;
	[tilespmem:$0x1E4C0] =	vst v63  }
0x84: {  	_ =	swait.ge [sflag:s22], $0x4000  }
0x85: {  	[sflag:s22] =	ssyncset.done $0x0  }
0x86: {  	[sflag:s22] =	ssyncadd.s32 $0xFFFFC000  }
0x87: {  	_ =	swait.ge [sflag:s28], $0x4000  }
0x88: {  	[sflag:s28] =	ssyncset.done $0x0  }
0x89: {  	s16 =	simm.s32 $0x13C40;
	[sflag:s28] =	ssyncadd.s32 $0xFFFFC000  }
0x8a: {  	[spmem:s3] =	stream.indirect.scatter.add.f32 [tilespmem:s25], [sflag:$0x3], $0x80, s16, s23, $0xb8;
	[tilespmem:$0x1E4C0] =	vst v63  }
0x8b: {  	_ =	swait.ge [sflag:s22], $0x4000  }
0x8c: {  	s1 =	simm.s32 $0x1000;
	s16 =	simm.s32 $0x200;
	[sflag:s22] =	ssyncset.done $0x0  }
.LBB2_8:
0x8d: {  	s6 =	sadd.s32 $0x13AC0, s16  }
0x8e: {  	[sflag:s22] =	ssyncadd.s32 $0xFFFFC000;
	s7 =	smov.u32 s1;
	s8 =	sadd.s32 $0x800, s1  }
0x8f: {  	[tilespmem:s24], [sflag:$0x1] =	stream.indirect.gather [hbm4b:s2+s23], $0x80, s6, s23, $0xb8;
	[tilespmem:$0x1E4C0] =	vst v63  }
0x90: {  	p2 =	sne.s32 s1, $0xA000;
	s1 =	sadd.s32 $0x13BC0, s16  }
0x91: {  	[tilespmem:s25], [sflag:$0x2] =	stream.indirect.gather [hbm4b:s2+s23], $0x80, s1, s23, $0xb8;
	[tilespmem:$0x1E4C0] =	vst v63  }
0x92: {  	_ =	swait.ge [sflag:s26], $0x4000  }
0x93: {  	[sflag:s26] =	ssyncset.done $0x0  }
0x94: {  	s1 =	sadd.s32 $0x13B40, s16;
	[sflag:s26] =	ssyncadd.s32 $0xFFFFC000  }
0x95: {  	[spmem:s3] =	stream.indirect.scatter.add.f32 [tilespmem:s24], [sflag:$0x3], $0x80, s1, s23, $0xb8;
	[tilespmem:$0x1E4C0] =	vst v63  }
0x96: {  	_ =	swait.ge [sflag:s22], $0x4000  }
0x97: {  	[sflag:s22] =	ssyncset.done $0x0  }
0x98: {  	[sflag:s22] =	ssyncadd.s32 $0xFFFFC000  }
0x99: {  	_ =	swait.ge [sflag:s28], $0x4000  }
.Ltmp4:
0x9a: {  	[sflag:s28] =	ssyncset.done $0x0;
	(pc) =	sbr.rel @p2 .LBB2_8-.Ltmp4, $4  }
0x9b: {  	s1 =	sadd.s32 $0x13C40, s16;
	[sflag:s28] =	ssyncadd.s32 $0xFFFFC000  }
0x9c: {  	[spmem:s3] =	stream.indirect.scatter.add.f32 [tilespmem:s25], [sflag:$0x3], $0x80, s1, s23, $0xb8;
	[tilespmem:$0x1E4C0] =	vst v63  }
0x9d: {  	_ =	swait.ge [sflag:s22], $0x4000  }
0x9e: {  	s16 =	sshra.s32 s7, $0x2;
	s1 =	smov.u32 s8;
	[sflag:s22] =	ssyncset.done $0x0  }
0x9f: {  	s1 =	sadd.s32 $0x13AC0, s16;
	[sflag:s22] =	ssyncadd.s32 $0xFFFFC000  }
0xa0: {  	[tilespmem:s24], [sflag:$0x1] =	stream.indirect.gather [hbm4b:s2+s23], $0x80, s1, s23, $0xb8;
	[tilespmem:$0x1E4C0] =	vst v63  }
0xa1: {  	s7 =	sadd.s32 $0x13BC0, s16  }
0xa2: {  	[tilespmem:s25], [sflag:$0x2] =	stream.indirect.gather [hbm4b:s2+s23], $0x80, s7, s23, $0xb8;
	[tilespmem:$0x1E4C0] =	vst v63  }
0xa3: {  	_ =	swait.ge [sflag:s26], $0x4000  }
0xa4: {  	[sflag:s26] =	ssyncset.done $0x0  }
0xa5: {  	s8 =	sadd.s32 $0x13B40, s16;
	[sflag:s26] =	ssyncadd.s32 $0xFFFFC000  }
0xa6: {  	[spmem:s3] =	stream.indirect.scatter.add.f32 [tilespmem:s24], [sflag:$0x3], $0x80, s8, s23, $0xb8;
	[tilespmem:$0x1E4C0] =	vst v63  }
0xa7: {  	_ =	swait.ge [sflag:s22], $0x4000  }
0xa8: {  	[sflag:s22] =	ssyncset.done $0x0  }
0xa9: {  	[sflag:s22] =	ssyncadd.s32 $0xFFFFC000  }
0xaa: {  	_ =	swait.ge [sflag:s28], $0x4000  }
0xab: {  	[sflag:s28] =	ssyncset.done $0x0  }
.Ltmp5:
0xac: {  	s16 =	sadd.s32 $0x13C40, s16;
	[sflag:s28] =	ssyncadd.s32 $0xFFFFC000;
	(pc) =	sbr.rel .LBB2_10-.Ltmp5, $4  }
0xad: {  	[spmem:s3] =	stream.indirect.scatter.add.f32 [tilespmem:s25], [sflag:$0x3], $0x80, s16, s23, $0xb8;
	[tilespmem:$0x1E4C0] =	vst v63  }
0xae: {  	_ =	swait.ge [sflag:s22], $0x4000  }
0xaf: {  	[sflag:s22] =	ssyncset.done $0x0  }
0xb0: {  	s8 =	stileid.u32;
	[sflag:s22] =	ssyncadd.s32 $0xFFFFC000  }
.LBB2_4:
0xb1: {  	s1 =	sadd.s32 $0x0, s20  }
0xb2: {  	[tilespmem:s29], [sflag:$0x3] =	stream.linear.gather [hbm4b:s1+s4], $0x200, $0x38;
	[tilespmem:$0x1E4C0] =	vst v63  }
0xb3: {  	_ =	swait.ge [sflag:s22], $0x200  }
0xb4: {  	[sflag:s22] =	ssyncset.done $0x0  }
0xb5: {  	[sflag:s22] =	ssyncadd.s32 $0xFFFFFE00  }
0xb6: {  	[tilespmem:s24], [sflag:$0x1] =	stream.indirect.gather [hbm4b:s2+s23], $0x80, s29, s23, $0xb8;
	[tilespmem:$0x1E4C0] =	vst v63  }
0xb7: {  	_ = 	snop  }
0xb8: {  	[tilespmem:s25], [sflag:$0x2] =	stream.indirect.gather [hbm4b:s2+s23], $0x80, s30, s23, $0xb8;
	[tilespmem:$0x1E4C0] =	vst v63  }
0xb9: {  	_ =	swait.ge [sflag:s26], $0x4000  }
0xba: {  	[sflag:s26] =	ssyncset.done $0x0  }
0xbb: {  	[sflag:s26] =	ssyncadd.s32 $0xFFFFC000  }
0xbc: {  	[spmem:s3] =	stream.indirect.scatter.add.f32 [tilespmem:s24], [sflag:$0x3], $0x80, s31, s23, $0xb8;
	[tilespmem:$0x1E4C0] =	vst v63  }
0xbd: {  	_ =	swait.ge [sflag:s22], $0x4000  }
0xbe: {  	[sflag:s22] =	ssyncset.done $0x0  }
0xbf: {  	[sflag:s22] =	ssyncadd.s32 $0xFFFFC000  }
0xc0: {  	_ =	swait.ge [sflag:s28], $0x4000  }
0xc1: {  	[sflag:s28] =	ssyncset.done $0x0  }
0xc2: {  	[sflag:s28] =	ssyncadd.s32 $0xFFFFC000  }
0xc3: {  	[spmem:s3] =	stream.indirect.scatter.add.f32 [tilespmem:s25], [sflag:$0x3], $0x80, s0, s23, $0xb8;
	[tilespmem:$0x1E4C0] =	vst v63  }
0xc4: {  	_ =	swait.ge [sflag:s22], $0x4000  }
0xc5: {  	s16 =	simm.s32 $0x40;
	s1 =	simm.s32 $0x80;
	[sflag:s22] =	ssyncset.done $0x0  }
.LBB2_5:
0xc6: {  	s6 =	sadd.s32 s16, s20  }
0xc7: {  	[sflag:s22] =	ssyncadd.s32 $0xFFFFC000;
	s16 =	smov.u32 s1;
	s7 =	sadd.s32 $0x40, s1  }
0xc8: {  	[tilespmem:s29], [sflag:$0x3] =	stream.linear.gather [hbm4b:s6+s4], $0x200, $0x38;
	[tilespmem:$0x1E4C0] =	vst v63  }
0xc9: {  	p2 =	seq.s32 s1, $0xE40;
	_ =	swait.ge [sflag:s22], $0x200  }
0xca: {  	[sflag:s22] =	ssyncset.done $0x0  }
0xcb: {  	[sflag:s22] =	ssyncadd.s32 $0xFFFFFE00  }
0xcc: {  	[tilespmem:s24], [sflag:$0x1] =	stream.indirect.gather [hbm4b:s2+s23], $0x80, s29, s23, $0xb8;
	[tilespmem:$0x1E4C0] =	vst v63  }
0xcd: {  	_ = 	snop  }
0xce: {  	[tilespmem:s25], [sflag:$0x2] =	stream.indirect.gather [hbm4b:s2+s23], $0x80, s30, s23, $0xb8;
	[tilespmem:$0x1E4C0] =	vst v63  }
0xcf: {  	_ =	swait.ge [sflag:s26], $0x4000  }
0xd0: {  	[sflag:s26] =	ssyncset.done $0x0  }
0xd1: {  	[sflag:s26] =	ssyncadd.s32 $0xFFFFC000  }
0xd2: {  	[spmem:s3] =	stream.indirect.scatter.add.f32 [tilespmem:s24], [sflag:$0x3], $0x80, s31, s23, $0xb8;
	[tilespmem:$0x1E4C0] =	vst v63  }
0xd3: {  	_ =	swait.ge [sflag:s22], $0x4000  }
0xd4: {  	[sflag:s22] =	ssyncset.done $0x0  }
0xd5: {  	[sflag:s22] =	ssyncadd.s32 $0xFFFFC000  }
0xd6: {  	_ =	swait.ge [sflag:s28], $0x4000  }
.Ltmp6:
0xd7: {  	[sflag:s28] =	ssyncset.done $0x0;
	(pc) =	sbr.rel @!p2 .LBB2_5-.Ltmp6, $4  }
0xd8: {  	[sflag:s28] =	ssyncadd.s32 $0xFFFFC000  }
0xd9: {  	[spmem:s3] =	stream.indirect.scatter.add.f32 [tilespmem:s25], [sflag:$0x3], $0x80, s0, s23, $0xb8;
	[tilespmem:$0x1E4C0] =	vst v63  }
0xda: {  	_ =	swait.ge [sflag:s22], $0x4000  }
0xdb: {  	s1 =	smov.u32 s7;
	[sflag:s22] =	ssyncset.done $0x0  }
.Ltmp7:
0xdc: {  	_ = 	snop;
	(pc) =	sbr.rel .LBB2_6-.Ltmp7, $1  }
0xdd: {  	_ =	sdelay $0x3  }
.LBB2_11:
0xde: {  	_ =	sfence.sel $0x180000  }
0xdf: {  	[bflag:$0x0] =	sbarrier.arrive $0xFFFF  }
0xe0: {  	_ =	strace $0x90000047  }
0xe1: {  	[bflag:$0x2] =	sbarrier.arrive $0xFFFF  }
0xe2: {  	p0 =	sne.s32 s8, $0x0;
	s0 =	rddreg [dreg:$0x4]  }
0xe3: {  	s0 =	sadd.s32 @!p0 $0x100000, s0  }
0xe4: {  	[sflag:s0] =	ssyncadd.tile.s32 @!p0 $0x1;
	_ =	shalt  }
.Lfunc_end2:
_tile_overlayer_lowered:
.L_overlay_start_2:
0xe5: {  	(tag) =	ssettag $0x2  }
0xe6: {  	s0 =	rddreg [dreg:$0x0];
	s2 =	stileid.u32  }
0xe7: {  	s1 =	rddreg [dreg:$0x1];
	p0 =	sne.s32 s2, $0x0  }
0xe8: {  	s3 =	rddreg [dreg:$0x2];
	[bflag:$0x3] =	sbarrier.arrive $0xFFFF;
	s2 =	simm.s32 @!p0 $0x1C03  }
0xe9: {  	[timem:s3], [sflag:s2] =	dma.local @!p0 [hbm:s0], s1  }
0xea: {  	s0 =	simm.s32 @!p0 $0x3  }
0xeb: {  	_ =	swait.ge @!p0 [sflag:s0], s1  }
0xec: {  	s1 =	ssub.s32 @!p0 $0x0, s1;
	[sflag:s0] =	ssyncset.done @!p0 $0x0  }
0xed: {  	[sflag:s0] =	ssyncadd.s32 @!p0 s1  }
0xee: {  	[bflag:$0x3] =	sbarrier.arrive $0xFFFF  }
0xef: {  	_ =	shalt  }

</sc_bundles>
